<compile_context>
chip_gen: v7x
topology: tpu7x:2x2x1
jax: 0.10.2.dev20260603
libtpu: 0.0.44.dev20260713+nightly
codegen_flags: <defaults>
</compile_context>

<pallas_src>
import dataclasses
import functools

import jax
import jax.numpy as jnp
from jax import lax
from jax.experimental import pallas as pl
from jax.experimental.pallas import tpu as pltpu
from jax.experimental.pallas import tpu_sc as plsc

_N = 10000
_NPAD = 10240
_E = 320000
_D = 128
_G = 64
_NCLS = 10

_NC = 2
_NS = 16
_NW = _NC * _NS
_FPW = _D // _NW
_EW = _E // _NW
_CHUNK = 2000
_VPC = _CHUNK // 16

_CB = 1024
_GRID = _NPAD // _CB

_SC_MESH = plsc.VectorSubcoreMesh(core_axis_name="c", subcore_axis_name="s")

_SC_CP = pltpu.CompilerParams()
if "needs_layout_passes" in pltpu.CompilerParams.__dataclass_fields__:
    _SC_CP = dataclasses.replace(_SC_CP, needs_layout_passes=False)


def _retire(dv, do_pass):
    _, last = plsc.scan_count(dv)
    do_pass(last)

    def cond(rem):
        return jnp.any(rem)

    def body(rem):
        _, nxt = plsc.scan_count(dv, mask=rem)
        do_pass(nxt)
        return rem & jnp.logical_not(nxt)

    lax.while_loop(cond, body, jnp.logical_not(last))



def _deg_body(dst_hbm, out_hbm, idx_v, deg_v, ones16):
    c = lax.axis_index("c")
    s = lax.axis_index("s")
    w = s * _NC + c

    def _zero(i, carry):
        deg_v[i // (_CB // 16), pl.ds((i % (_CB // 16)) * 16, 16)] = (
            jnp.zeros((16,), jnp.float32))
        return carry

    lax.fori_loop(0, _GRID * (_CB // 16), _zero, 0)

    ones16[0, :] = jnp.full((16,), 1.0, jnp.float32)
    ebase = w * _EW

    def _chunk(k, carry):
        pltpu.sync_copy(dst_hbm.at[pl.ds(ebase + k * _CHUNK, _CHUNK)], idx_v)

        def _vec(j, c2):
            dv = idx_v[pl.ds(j * 16, 16)]
            r = lax.shift_right_logical(dv, 10)
            q = lax.bitwise_and(dv, jnp.full((16,), _CB - 1, jnp.int32))

            def do_pass(mask):
                plsc.addupdate_scatter(deg_v, [r, q], ones16[0, :], mask=mask)

            _retire(dv, do_pass)
            return c2

        lax.fori_loop(0, _VPC, _vec, 0)
        return carry

    lax.fori_loop(0, _EW // _CHUNK, _chunk, 0)

    pltpu.sync_copy(deg_v, out_hbm.at[w])


_deg_kernel = functools.partial(
    pl.kernel,
    out_type=jax.ShapeDtypeStruct((_NW, _GRID, _CB), jnp.float32),
    mesh=_SC_MESH,
    compiler_params=_SC_CP,
    scratch_types=[
        pltpu.VMEM((_CHUNK,), jnp.int32),
        pltpu.VMEM((_GRID, _CB), jnp.float32),
        pltpu.VMEM((1, 16), jnp.float32),
    ],
)(_deg_body)



def _agg_body(y_hbm, src_hbm, dst_hbm, out_hbm, sv_v, dv_v, y_v, a_v):
    c = lax.axis_index("c")
    s = lax.axis_index("s")
    w = s * _NC + c

    def _zero(i, carry):
        a_v[i // (_NPAD // 16), pl.ds((i % (_NPAD // 16)) * 16, 16)] = (
            jnp.zeros((16,), jnp.float32))
        return carry

    lax.fori_loop(0, _FPW * (_NPAD // 16), _zero, 0)

    pltpu.sync_copy(y_hbm.at[w], y_v)

    def _chunk(k, carry):
        pltpu.sync_copy(src_hbm.at[pl.ds(k * _CHUNK, _CHUNK)], sv_v)
        pltpu.sync_copy(dst_hbm.at[pl.ds(k * _CHUNK, _CHUNK)], dv_v)

        @plsc.parallel_loop(0, _VPC, unroll=2)
        def _vec(j):
            sv = sv_v[pl.ds(j * 16, 16)]
            dv = dv_v[pl.ds(j * 16, 16)]

            fidxs = [jnp.full((16,), f, jnp.int32) for f in range(_FPW)]
            vals = [plsc.load_gather(y_v, [fidxs[f], sv])
                    for f in range(_FPW)]

            def do_pass(mask):
                for f in range(_FPW):
                    plsc.addupdate_scatter(a_v, [fidxs[f], dv], vals[f],
                                           mask=mask)

            _retire(dv, do_pass)

        return carry

    lax.fori_loop(0, _E // _CHUNK, _chunk, 0)

    pltpu.sync_copy(a_v, out_hbm.at[w])


_agg_kernel = functools.partial(
    pl.kernel,
    out_type=jax.ShapeDtypeStruct((_NW, _FPW, _NPAD), jnp.float32),
    mesh=_SC_MESH,
    compiler_params=_SC_CP,
    scratch_types=[
        pltpu.VMEM((_CHUNK,), jnp.int32),
        pltpu.VMEM((_CHUNK,), jnp.int32),
        pltpu.VMEM((_FPW, _NPAD), jnp.float32),
        pltpu.VMEM((_FPW, _NPAD), jnp.float32),
    ],
)(_agg_body)



def _dinv_body(parts_ref, dinv_ref):
    deg = 1.0 + jnp.sum(parts_ref[...], axis=0)
    dinv_ref[...] = lax.rsqrt(deg)


def _tc_dinv(degparts):
    return pl.pallas_call(
        _dinv_body,
        grid=(1,),
        in_specs=[pl.BlockSpec((_NW, _GRID, _CB), lambda j: (0, 0, 0))],
        out_specs=pl.BlockSpec((_GRID, _CB), lambda j: (0, 0)),
        out_shape=jax.ShapeDtypeStruct((_GRID, _CB), jnp.float32),
    )(degparts)


def _y1_body(x_ref, w_ref, d_ref, y_ref):
    yt = lax.dot_general(w_ref[...], x_ref[...], (((0,), (1,)), ((), ())),
                         preferred_element_type=jnp.float32)
    y_ref[...] = yt * d_ref[pl.ds(pl.program_id(0), 1), :]


def _tc_y1(xp, W1, dinv8):
    return pl.pallas_call(
        _y1_body,
        grid=(_GRID,),
        in_specs=[
            pl.BlockSpec((_CB, _D), lambda j: (j, 0)),
            pl.BlockSpec((_D, _D), lambda j: (0, 0)),
            pl.BlockSpec((_GRID, _CB), lambda j: (0, 0)),
        ],
        out_specs=pl.BlockSpec((_D, _CB), lambda j: (0, j)),
        out_shape=jax.ShapeDtypeStruct((_D, _NPAD), jnp.float32),
    )(xp, W1, dinv8)


def _h_body(a_ref, y_ref, w_ref, b_ref, d_ref, y2_ref):
    dinv = d_ref[pl.ds(pl.program_id(0), 1), :]
    h = jnp.maximum(dinv * (a_ref[...] + y_ref[...]) + b_ref[...], 0.0)
    y2_ref[...] = lax.dot_general(w_ref[...], h, (((0,), (0,)), ((), ())),
                                  preferred_element_type=jnp.float32) * dinv


def _tc_h(aggT, yT, W2, b1c, dinv8):
    return pl.pallas_call(
        _h_body,
        grid=(_GRID,),
        in_specs=[
            pl.BlockSpec((_D, _CB), lambda j: (0, j)),
            pl.BlockSpec((_D, _CB), lambda j: (0, j)),
            pl.BlockSpec((_D, _D), lambda j: (0, 0)),
            pl.BlockSpec((_D, 1), lambda j: (0, 0)),
            pl.BlockSpec((_GRID, _CB), lambda j: (0, 0)),
        ],
        out_specs=pl.BlockSpec((_D, _CB), lambda j: (0, j)),
        out_shape=jax.ShapeDtypeStruct((_D, _NPAD), jnp.float32),
    )(aggT, yT, W2, b1c, dinv8)


def _final_body(a_ref, y_ref, b_ref, d_ref, bat_ref, wc_ref, bc_ref,
                out_ref, p_acc, c_acc):
    j = pl.program_id(0)

    @pl.when(j == 0)
    def _init():
        p_acc[...] = jnp.zeros_like(p_acc)
        c_acc[...] = jnp.zeros_like(c_acc)

    dinv = d_ref[pl.ds(j, 1), :]
    h = jnp.maximum(dinv * (a_ref[...] + y_ref[...]) + b_ref[...], 0.0)
    gids = lax.broadcasted_iota(jnp.int32, (_G, 1), 0)
    onehot_t = (bat_ref[0] == gids).astype(jnp.float32)
    p_acc[...] += lax.dot_general(h, onehot_t, (((1,), (1,)), ((), ())),
                                  preferred_element_type=jnp.float32)
    ones_row = jnp.ones((1, _CB), jnp.float32)
    c_acc[...] += lax.dot_general(ones_row, onehot_t, (((1,), (1,)), ((), ())),
                                  preferred_element_type=jnp.float32)

    @pl.when(j == _GRID - 1)
    def _fin():
        pooled = p_acc[...] / jnp.maximum(c_acc[...], 1.0)
        out_ref[...] = lax.dot_general(pooled, wc_ref[...],
                                       (((0,), (0,)), ((), ())),
                                       preferred_element_type=jnp.float32
                                       ) + bc_ref[...]


def _tc_final(aggT, y2T, b2c, dinv8, bat3, Wc, bcr):
    return pl.pallas_call(
        _final_body,
        grid=(_GRID,),
        in_specs=[
            pl.BlockSpec((_D, _CB), lambda j: (0, j)),
            pl.BlockSpec((_D, _CB), lambda j: (0, j)),
            pl.BlockSpec((_D, 1), lambda j: (0, 0)),
            pl.BlockSpec((_GRID, _CB), lambda j: (0, 0)),
            pl.BlockSpec((1, 1, _CB), lambda j: (j, 0, 0)),
            pl.BlockSpec((_D, _NCLS), lambda j: (0, 0)),
            pl.BlockSpec((1, _NCLS), lambda j: (0, 0)),
        ],
        out_specs=pl.BlockSpec((_G, _NCLS), lambda j: (0, 0)),
        out_shape=jax.ShapeDtypeStruct((_G, _NCLS), jnp.float32),
        scratch_shapes=[
            pltpu.VMEM((_D, _G), jnp.float32),
            pltpu.VMEM((1, _G), jnp.float32),
        ],
    )(aggT, y2T, b2c, dinv8, bat3, Wc, bcr)



def kernel(x, edge_index, batch, W1, b1, W2, b2, Wc, bc):
    src = edge_index[0]
    dst = edge_index[1]
    xp = jnp.pad(x, ((0, _NPAD - _N), (0, 0)))
    batp = jnp.pad(batch, (0, _NPAD - _N), constant_values=_G)
    bat3 = batp.reshape(_GRID, 1, _CB)
    b1c = b1.reshape(_D, 1)
    b2c = b2.reshape(_D, 1)
    bcr = bc.reshape(1, _NCLS)

    degparts = _deg_kernel(dst)
    dinv8 = _tc_dinv(degparts)
    y1T = _tc_y1(xp, W1, dinv8)
    agg1 = _agg_kernel(y1T.reshape(_NW, _FPW, _NPAD), src, dst)
    y2T = _tc_h(agg1.reshape(_D, _NPAD), y1T, W2, b1c, dinv8)
    agg2 = _agg_kernel(y2T.reshape(_NW, _FPW, _NPAD), src, dst)
    return _tc_final(agg2.reshape(_D, _NPAD), y2T, b2c, dinv8, bat3, Wc, bcr)

# --- scband reference (transcript-rebuilt; emitter-appended) ---
"""Pipeline reference for scband-gnn-11940009083561 (READ-ONLY COPY).

The authoritative reference and input builder live on the scoring server;
editing this copy changes nothing except your own understanding.
"""

import jax, jax.numpy as jnp
import numpy as np

N_NODES = 10000
N_EDGES = 320000
D_IN = 128
D_HID = 128
D_OUT = 10
N_GRAPHS = 64


def setup_inputs(seed: int = 0) -> dict:
    key = jax.random.key(seed)
    ks = jax.random.split(key, 10)
    x = jax.random.normal(ks[0], (N_NODES, D_IN), dtype=jnp.float32)
    edge_index = jax.random.randint(ks[1], (2, N_EDGES), 0, N_NODES, dtype=jnp.int64 if jax.config.read('jax_enable_x64') else jnp.int32).astype(jnp.int32)
    batch = jnp.sort(jax.random.randint(ks[2], (N_NODES,), 0, N_GRAPHS)).astype(jnp.int32)
    s1 = 1.0 / np.sqrt(D_IN)
    s2 = 1.0 / np.sqrt(D_HID)
    W1 = jax.random.uniform(ks[3], (D_IN, D_HID), jnp.float32, -s1, s1)
    b1 = jnp.zeros((D_HID,), jnp.float32)
    W2 = jax.random.uniform(ks[4], (D_HID, D_HID), jnp.float32, -s2, s2)
    b2 = jnp.zeros((D_HID,), jnp.float32)
    Wc = jax.random.uniform(ks[5], (D_HID, D_OUT), jnp.float32, -s2, s2)
    bc = jax.random.uniform(ks[6], (D_OUT,), jnp.float32, -s2, s2)
    return {"x": x, "edge_index": edge_index, "batch": batch,
            "W1": W1, "b1": b1, "W2": W2, "b2": b2, "Wc": Wc, "bc": bc}


def _gcn_conv(x, src, dst, W, b, num_nodes):
    # x @ W, then symmetric-normalized scatter-add aggregation (GCNConv w/ self-loops)
    loop = jnp.arange(num_nodes, dtype=src.dtype)
    s = jnp.concatenate([src, loop])
    d = jnp.concatenate([dst, loop])
    deg = jnp.zeros((num_nodes,), jnp.float32).at[d].add(1.0)
    dinv = jnp.where(deg > 0, deg ** -0.5, 0.0)
    norm = dinv[s] * dinv[d]
    xw = x @ W
    msg = xw[s] * norm[:, None]
    out = jnp.zeros((num_nodes, W.shape[1]), jnp.float32).at[d].add(msg)
    return out + b


def reference(x, edge_index, batch, W1, b1, W2, b2, Wc, bc):
    src, dst = edge_index[0], edge_index[1]
    h = _gcn_conv(x, src, dst, W1, b1, N_NODES)
    h = jax.nn.relu(h)
    h = _gcn_conv(h, src, dst, W2, b2, N_NODES)
    h = jax.nn.relu(h)
    # global_mean_pool over batch segment ids
    sums = jax.ops.segment_sum(h, batch, num_segments=N_GRAPHS)
    counts = jax.ops.segment_sum(jnp.ones((N_NODES,), jnp.float32), batch, num_segments=N_GRAPHS)
    pooled = sums / jnp.maximum(counts, 1.0)[:, None]
    return pooled @ Wc + bc

if __name__ == "__main__":
    import jax
    _d = setup_inputs()
    print(jax.jit(kernel)(*tuple(_d.values())))

</pallas_src>

<mosaic_0001>
#map = affine_map<(d0, d1) -> (0, 0, 0)>
#map1 = affine_map<(d0, d1) -> (0)>
module attributes {stable_mosaic.version = 14 : i64} {
  func.func @_agg_body(%arg0: i32, %arg1: i32, %arg2: memref<32x4x10240xf32, #tpu.memory_space<hbm>>, %arg3: memref<320000xi32, #tpu.memory_space<hbm>>, %arg4: memref<320000xi32, #tpu.memory_space<hbm>>, %arg5: memref<32x4x10240xf32, #tpu.memory_space<hbm>>, %arg6: memref<2000xi32, #tpu.memory_space<vmem>>, %arg7: memref<2000xi32, #tpu.memory_space<vmem>>, %arg8: memref<4x10240xf32, #tpu.memory_space<vmem>>, %arg9: memref<4x10240xf32, #tpu.memory_space<vmem>>) attributes {dimension_semantics = [#tpu.dimension_semantics<core_parallel>, #tpu.dimension_semantics<subcore_parallel>], iteration_bounds = array<i64: 2, 16>, scalar_prefetch = 0 : i64, scratch_operands = 4 : i64, tpu.core_type = #tpu.core_type<sc_vector_subcore>, window_params = [{transform_indices = #map}, {transform_indices = #map1}, {transform_indices = #map1}, {transform_indices = #map}]} {
    %mul3A = arith.constant 2 : i32
    %mul3A_0 = arith.muli %arg1, %mul3A : i32
    %add3A = arith.addi %mul3A_0, %arg0 : i32
    %scan3A = arith.constant 0 : i32
    %scan3A_1 = arith.constant 0 : i32
    %scan3A_2 = arith.constant 2560 : i32
    %scan3A_3 = arith.addi %scan3A_1, %scan3A_2 : i32
    %scan3A_4 = arith.constant 1 : i32
    scf.for %scan3A_12 = %scan3A_1 to %scan3A_3 step %scan3A_4  : i32 {
      %broadcast_in_dim3A = arith.constant 0.000000e+00 : f32
      %broadcast_in_dim3A_13 = vector.broadcast %broadcast_in_dim3A : f32 to vector<16xf32>
      %jit3A = arith.constant 640 : i32
      %div3A = arith.divsi %scan3A_12, %jit3A : i32
      %sign3A = arith.constant 0 : i32
      %sign3A_14 = arith.cmpi sgt, %scan3A_12, %sign3A : i32
      %sign3A_15 = arith.extui %sign3A_14 : i1 to i32
      %sign3A_16 = arith.constant 0 : i32
      %sign3A_17 = arith.cmpi slt, %scan3A_12, %sign3A_16 : i32
      %sign3A_18 = arith.extui %sign3A_17 : i1 to i32
      %sign3A_19 = arith.subi %sign3A_15, %sign3A_18 : i32
      %sign3A_20 = arith.constant 0 : i32
      %sign3A_21 = arith.cmpi sgt, %jit3A, %sign3A_20 : i32
      %sign3A_22 = arith.extui %sign3A_21 : i1 to i32
      %sign3A_23 = arith.constant 0 : i32
      %sign3A_24 = arith.cmpi slt, %jit3A, %sign3A_23 : i32
      %sign3A_25 = arith.extui %sign3A_24 : i1 to i32
      %sign3A_26 = arith.subi %sign3A_22, %sign3A_25 : i32
      %ne3A = arith.cmpi ne, %sign3A_19, %sign3A_26 : i32
      %rem3A = arith.remsi %scan3A_12, %jit3A : i32
      %ne3A_27 = arith.constant 0 : i32
      %ne3A_28 = arith.cmpi ne, %rem3A, %ne3A_27 : i32
      %and3A = arith.andi %ne3A, %ne3A_28 : i1
      %sub3A = arith.constant 1 : i32
      %sub3A_29 = arith.subi %div3A, %sub3A : i32
      %select_n3A = arith.select %and3A, %sub3A_29, %div3A : i32
      %jit3A_30 = arith.constant 640 : i32
      %eq3A = arith.constant 0 : i32
      %eq3A_31 = arith.cmpi eq, %jit3A_30, %eq3A : i32
      %jit3A_32 = arith.constant 1 : i32
      %select_n3A_33 = arith.select %eq3A_31, %jit3A_32, %jit3A_30 : i32
      %rem3A_34 = arith.remsi %scan3A_12, %select_n3A_33 : i32
      %ne3A_35 = arith.constant 0 : i32
      %ne3A_36 = arith.cmpi ne, %rem3A_34, %ne3A_35 : i32
      %lt3A = arith.constant 0 : i32
      %lt3A_37 = arith.cmpi slt, %rem3A_34, %lt3A : i32
      %lt3A_38 = arith.constant 0 : i32
      %lt3A_39 = arith.cmpi slt, %select_n3A_33, %lt3A_38 : i32
      %ne3A_40 = arith.xori %lt3A_37, %lt3A_39 : i1
      %and3A_41 = arith.andi %ne3A_40, %ne3A_36 : i1
      %add3A_42 = arith.addi %rem3A_34, %select_n3A_33 : i32
      %select_n3A_43 = arith.select %and3A_41, %add3A_42, %rem3A_34 : i32
      %mul3A_44 = arith.constant 16 : i32
      %mul3A_45 = arith.muli %select_n3A_43, %mul3A_44 : i32
      %swap3A = arith.index_cast %select_n3A : i32 to index
      %swap3A_46 = arith.index_cast %mul3A_45 : i32 to index
      %swap3A_47 = tpu.vector_load %arg9[%swap3A, %swap3A_46] {strides = array<i32>} : memref<4x10240xf32, #tpu.memory_space<vmem>>, vector<16xf32>,
      tpu.vector_store %arg9[%swap3A, %swap3A_46], %broadcast_in_dim3A_13 {strides = array<i32>} : memref<4x10240xf32, #tpu.memory_space<vmem>>, vector<16xf32>,
    }
    %scan3A_5 = arith.constant 2560 : i32
    "tpu.region"() ({
      %run_scoped3A = tpu.sem_alloc : memref<!tpu.dma_semaphore, #tpu.memory_space<semaphore_mem>>
      %dma_start3A = arith.constant 0 : i32
      %dma_start3A_12 = arith.constant 0 : i32
      %dma_start3A_13 = tpu.memref_slice %arg2[%add3A, %dma_start3A, %dma_start3A_12] : memref<32x4x10240xf32, #tpu.memory_space<hbm>> -> memref<1x4x10240xf32, #tpu.memory_space<hbm>>
      %dma_start3A_14 = tpu.memref_squeeze %dma_start3A_13 : memref<1x4x10240xf32, #tpu.memory_space<hbm>> -> memref<4x10240xf32, #tpu.memory_space<hbm>>
      %dma_start3A_15 = arith.constant 0 : i32
      %dma_start3A_16 = arith.constant 0 : i32
      %dma_start3A_17 = tpu.memref_slice %arg2[%add3A, %dma_start3A_15, %dma_start3A_16] : memref<32x4x10240xf32, #tpu.memory_space<hbm>> -> memref<1x4x10240xf32, #tpu.memory_space<hbm>>
      %dma_start3A_18 = tpu.memref_squeeze %dma_start3A_17 : memref<1x4x10240xf32, #tpu.memory_space<hbm>> -> memref<4x10240xf32, #tpu.memory_space<hbm>>
      tpu.enqueue_dma source(%dma_start3A_18 : memref<4x10240xf32, #tpu.memory_space<hbm>>) target(%arg8 : memref<4x10240xf32, #tpu.memory_space<vmem>>) target_semaphore(%run_scoped3A : memref<!tpu.dma_semaphore, #tpu.memory_space<semaphore_mem>>)
      %dma_wait3A = arith.constant 0 : i32
      %dma_wait3A_19 = arith.constant 0 : i32
      %dma_wait3A_20 = tpu.memref_slice %arg2[%add3A, %dma_wait3A, %dma_wait3A_19] : memref<32x4x10240xf32, #tpu.memory_space<hbm>> -> memref<1x4x10240xf32, #tpu.memory_space<hbm>>
      %dma_wait3A_21 = tpu.memref_squeeze %dma_wait3A_20 : memref<1x4x10240xf32, #tpu.memory_space<hbm>> -> memref<4x10240xf32, #tpu.memory_space<hbm>>
      %dma_wait3A_22 = arith.constant 0 : i32
      %dma_wait3A_23 = arith.constant 0 : i32
      %dma_wait3A_24 = tpu.memref_slice %arg2[%add3A, %dma_wait3A_22, %dma_wait3A_23] : memref<32x4x10240xf32, #tpu.memory_space<hbm>> -> memref<1x4x10240xf32, #tpu.memory_space<hbm>>
      %dma_wait3A_25 = tpu.memref_squeeze %dma_wait3A_24 : memref<1x4x10240xf32, #tpu.memory_space<hbm>> -> memref<4x10240xf32, #tpu.memory_space<hbm>>
      tpu.wait_dma2 semaphore(%run_scoped3A : memref<!tpu.dma_semaphore, #tpu.memory_space<semaphore_mem>>) src(%dma_wait3A_25 : memref<4x10240xf32, #tpu.memory_space<hbm>>) dst(%arg8 : memref<4x10240xf32, #tpu.memory_space<vmem>>)
      tpu.yield
    }) : () -> ()
    %scan3A_6 = arith.constant 0 : i32
    %scan3A_7 = arith.constant 0 : i32
    %scan3A_8 = arith.constant 160 : i32
    %scan3A_9 = arith.addi %scan3A_7, %scan3A_8 : i32
    %scan3A_10 = arith.constant 1 : i32
    scf.for %scan3A_12 = %scan3A_7 to %scan3A_9 step %scan3A_10  : i32 {
      %mul3A_13 = arith.constant 2000 : i32
      %mul3A_14 = arith.muli %scan3A_12, %mul3A_13 : i32
      "tpu.region"() ({
        %run_scoped3A = tpu.sem_alloc : memref<!tpu.dma_semaphore, #tpu.memory_space<semaphore_mem>>
        %dma_start3A = tpu.memref_slice %arg3[%mul3A_14] : memref<320000xi32, #tpu.memory_space<hbm>> -> memref<2000xi32, #tpu.memory_space<hbm>>
        %dma_start3A_19 = tpu.memref_slice %arg3[%mul3A_14] : memref<320000xi32, #tpu.memory_space<hbm>> -> memref<2000xi32, #tpu.memory_space<hbm>>
        tpu.enqueue_dma source(%dma_start3A_19 : memref<2000xi32, #tpu.memory_space<hbm>>) target(%arg6 : memref<2000xi32, #tpu.memory_space<vmem>>) target_semaphore(%run_scoped3A : memref<!tpu.dma_semaphore, #tpu.memory_space<semaphore_mem>>)
        %dma_wait3A = tpu.memref_slice %arg3[%mul3A_14] : memref<320000xi32, #tpu.memory_space<hbm>> -> memref<2000xi32, #tpu.memory_space<hbm>>
        %dma_wait3A_20 = tpu.memref_slice %arg3[%mul3A_14] : memref<320000xi32, #tpu.memory_space<hbm>> -> memref<2000xi32, #tpu.memory_space<hbm>>
        tpu.wait_dma2 semaphore(%run_scoped3A : memref<!tpu.dma_semaphore, #tpu.memory_space<semaphore_mem>>) src(%dma_wait3A_20 : memref<2000xi32, #tpu.memory_space<hbm>>) dst(%arg6 : memref<2000xi32, #tpu.memory_space<vmem>>)
        tpu.yield
      }) : () -> ()
      %mul3A_15 = arith.constant 2000 : i32
      %mul3A_16 = arith.muli %scan3A_12, %mul3A_15 : i32
      "tpu.region"() ({
        %run_scoped3A = tpu.sem_alloc : memref<!tpu.dma_semaphore, #tpu.memory_space<semaphore_mem>>
        %dma_start3A = tpu.memref_slice %arg4[%mul3A_16] : memref<320000xi32, #tpu.memory_space<hbm>> -> memref<2000xi32, #tpu.memory_space<hbm>>
        %dma_start3A_19 = tpu.memref_slice %arg4[%mul3A_16] : memref<320000xi32, #tpu.memory_space<hbm>> -> memref<2000xi32, #tpu.memory_space<hbm>>
        tpu.enqueue_dma source(%dma_start3A_19 : memref<2000xi32, #tpu.memory_space<hbm>>) target(%arg7 : memref<2000xi32, #tpu.memory_space<vmem>>) target_semaphore(%run_scoped3A : memref<!tpu.dma_semaphore, #tpu.memory_space<semaphore_mem>>)
        %dma_wait3A = tpu.memref_slice %arg4[%mul3A_16] : memref<320000xi32, #tpu.memory_space<hbm>> -> memref<2000xi32, #tpu.memory_space<hbm>>
        %dma_wait3A_20 = tpu.memref_slice %arg4[%mul3A_16] : memref<320000xi32, #tpu.memory_space<hbm>> -> memref<2000xi32, #tpu.memory_space<hbm>>
        tpu.wait_dma2 semaphore(%run_scoped3A : memref<!tpu.dma_semaphore, #tpu.memory_space<semaphore_mem>>) src(%dma_wait3A_20 : memref<2000xi32, #tpu.memory_space<hbm>>) dst(%arg7 : memref<2000xi32, #tpu.memory_space<vmem>>)
        tpu.yield
      }) : () -> ()
      %parallel_loop3A = arith.constant 0 : i32
      %parallel_loop3A_17 = arith.constant 125 : i32
      %parallel_loop3A_18 = arith.constant 1 : i32
      scf.for %parallel_loop3A_19 = %parallel_loop3A to %parallel_loop3A_17 step %parallel_loop3A_18  : i32 {
        %parallel_loop3A_20 = arith.constant 16 : i32
        %parallel_loop3A_21 = arith.muli %parallel_loop3A_19, %parallel_loop3A_20 : i32
        %parallel_loop3A_22 = arith.index_cast %parallel_loop3A_21 : i32 to index
        %parallel_loop3A_23 = tpu.vector_load %arg6[%parallel_loop3A_22] {strides = array<i32>} : memref<2000xi32, #tpu.memory_space<vmem>>, vector<16xi32>,
        %parallel_loop3A_24 = arith.constant 16 : i32
        %parallel_loop3A_25 = arith.muli %parallel_loop3A_19, %parallel_loop3A_24 : i32
        %parallel_loop3A_26 = arith.index_cast %parallel_loop3A_25 : i32 to index
        %parallel_loop3A_27 = tpu.vector_load %arg7[%parallel_loop3A_26] {strides = array<i32>} : memref<2000xi32, #tpu.memory_space<vmem>>, vector<16xi32>,
        %parallel_loop3A_28 = arith.constant 0 : i32
        %parallel_loop3A_29 = vector.broadcast %parallel_loop3A_28 : i32 to vector<16xi32>
        %parallel_loop3A_30 = arith.constant 1 : i32
        %parallel_loop3A_31 = vector.broadcast %parallel_loop3A_30 : i32 to vector<16xi32>
        %parallel_loop3A_32 = arith.constant 2 : i32
        %parallel_loop3A_33 = vector.broadcast %parallel_loop3A_32 : i32 to vector<16xi32>
        %parallel_loop3A_34 = arith.constant 3 : i32
        %parallel_loop3A_35 = vector.broadcast %parallel_loop3A_34 : i32 to vector<16xi32>
        %parallel_loop3A_36 = tpu.vector_load_idx %arg8[%parallel_loop3A_29, %parallel_loop3A_23] : memref<4x10240xf32, #tpu.memory_space<vmem>>[vector<16xi32>, vector<16xi32>], vector<16xf32>,
        %parallel_loop3A_37 = tpu.vector_load_idx %arg8[%parallel_loop3A_31, %parallel_loop3A_23] : memref<4x10240xf32, #tpu.memory_space<vmem>>[vector<16xi32>, vector<16xi32>], vector<16xf32>,
        %parallel_loop3A_38 = tpu.vector_load_idx %arg8[%parallel_loop3A_33, %parallel_loop3A_23] : memref<4x10240xf32, #tpu.memory_space<vmem>>[vector<16xi32>, vector<16xi32>], vector<16xf32>,
        %parallel_loop3A_39 = tpu.vector_load_idx %arg8[%parallel_loop3A_35, %parallel_loop3A_23] : memref<4x10240xf32, #tpu.memory_space<vmem>>[vector<16xi32>, vector<16xi32>], vector<16xf32>,
        %parallel_loop3A_40 = arith.constant true
        %parallel_loop3A_41 = vector.broadcast %parallel_loop3A_40 : i1 to vector<16xi1>
        %parallel_loop3A_42, %parallel_loop3A_43 = tpu.scan_count mask(%parallel_loop3A_41 : vector<16xi1>) value(%parallel_loop3A_27 : vector<16xi32>) : vector<16xi1>, vector<16xi32>
        tpu.vector_store_idx %arg9[%parallel_loop3A_29, %parallel_loop3A_27], %parallel_loop3A_36 masked %parallel_loop3A_42 {add = true} : memref<4x10240xf32, #tpu.memory_space<vmem>>[vector<16xi32>, vector<16xi32>], vector<16xf32>, vector<16xi1>
        tpu.vector_store_idx %arg9[%parallel_loop3A_31, %parallel_loop3A_27], %parallel_loop3A_37 masked %parallel_loop3A_42 {add = true} : memref<4x10240xf32, #tpu.memory_space<vmem>>[vector<16xi32>, vector<16xi32>], vector<16xf32>, vector<16xi1>
        tpu.vector_store_idx %arg9[%parallel_loop3A_33, %parallel_loop3A_27], %parallel_loop3A_38 masked %parallel_loop3A_42 {add = true} : memref<4x10240xf32, #tpu.memory_space<vmem>>[vector<16xi32>, vector<16xi32>], vector<16xf32>, vector<16xi1>
        tpu.vector_store_idx %arg9[%parallel_loop3A_35, %parallel_loop3A_27], %parallel_loop3A_39 masked %parallel_loop3A_42 {add = true} : memref<4x10240xf32, #tpu.memory_space<vmem>>[vector<16xi32>, vector<16xi32>], vector<16xf32>, vector<16xi1>
        %parallel_loop3A_44 = arith.constant dense<true> : vector<16xi1>
        %parallel_loop3A_45 = arith.xori %parallel_loop3A_42, %parallel_loop3A_44 : vector<16xi1>
        %parallel_loop3A_46 = scf.while (%while3A = %parallel_loop3A_45) : (vector<16xi1>) -> vector<16xi1> {
          %parallel_loop3A_47 = arith.constant 1.000000e+00 : f32
          %parallel_loop3A_48 = arith.constant 0.000000e+00 : f32
          %parallel_loop3A_49 = vector.broadcast %parallel_loop3A_47 : f32 to vector<16xf32>
          %parallel_loop3A_50 = vector.broadcast %parallel_loop3A_48 : f32 to vector<16xf32>
          %parallel_loop3A_51 = arith.select %while3A, %parallel_loop3A_49, %parallel_loop3A_50 : vector<16xi1>, vector<16xf32>
          %parallel_loop3A_52 = arith.constant true
          %parallel_loop3A_53 = vector.broadcast %parallel_loop3A_52 : i1 to vector<16xi1>
          %parallel_loop3A_54 = tpu.scan <max>, %parallel_loop3A_51 masked %parallel_loop3A_53 : vector<16xf32>, vector<16xi1> -> vector<16xf32>
          %parallel_loop3A_55 = vector.extract %parallel_loop3A_54[15] : f32 from vector<16xf32>
          %parallel_loop3A_56 = arith.constant 0.000000e+00 : f32
          %parallel_loop3A_57 = arith.cmpf ogt, %parallel_loop3A_55, %parallel_loop3A_56 : f32
          scf.condition(%parallel_loop3A_57) %while3A : vector<16xi1>
        } do {
        ^bb0(%while3A: vector<16xi1>):
          %parallel_loop3A_47, %parallel_loop3A_48 = tpu.scan_count mask(%while3A : vector<16xi1>) value(%parallel_loop3A_27 : vector<16xi32>) : vector<16xi1>, vector<16xi32>
          tpu.vector_store_idx %arg9[%parallel_loop3A_29, %parallel_loop3A_27], %parallel_loop3A_36 masked %parallel_loop3A_47 {add = true} : memref<4x10240xf32, #tpu.memory_space<vmem>>[vector<16xi32>, vector<16xi32>], vector<16xf32>, vector<16xi1>
          tpu.vector_store_idx %arg9[%parallel_loop3A_31, %parallel_loop3A_27], %parallel_loop3A_37 masked %parallel_loop3A_47 {add = true} : memref<4x10240xf32, #tpu.memory_space<vmem>>[vector<16xi32>, vector<16xi32>], vector<16xf32>, vector<16xi1>
          tpu.vector_store_idx %arg9[%parallel_loop3A_33, %parallel_loop3A_27], %parallel_loop3A_38 masked %parallel_loop3A_47 {add = true} : memref<4x10240xf32, #tpu.memory_space<vmem>>[vector<16xi32>, vector<16xi32>], vector<16xf32>, vector<16xi1>
          tpu.vector_store_idx %arg9[%parallel_loop3A_35, %parallel_loop3A_27], %parallel_loop3A_39 masked %parallel_loop3A_47 {add = true} : memref<4x10240xf32, #tpu.memory_space<vmem>>[vector<16xi32>, vector<16xi32>], vector<16xf32>, vector<16xi1>
          %parallel_loop3A_49 = arith.constant dense<true> : vector<16xi1>
          %parallel_loop3A_50 = arith.xori %parallel_loop3A_47, %parallel_loop3A_49 : vector<16xi1>
          %parallel_loop3A_51 = arith.andi %while3A, %parallel_loop3A_50 : vector<16xi1>
          scf.yield %parallel_loop3A_51 : vector<16xi1>
        }
      } {sc.loop_unroll_factor = 2 : i64, sc.parallel_access}
    }
    %scan3A_11 = arith.constant 160 : i32
    "tpu.region"() ({
      %run_scoped3A = tpu.sem_alloc : memref<!tpu.dma_semaphore, #tpu.memory_space<semaphore_mem>>
      %dma_start3A = arith.constant 0 : i32
      %dma_start3A_12 = arith.constant 0 : i32
      %dma_start3A_13 = tpu.memref_slice %arg5[%add3A, %dma_start3A, %dma_start3A_12] : memref<32x4x10240xf32, #tpu.memory_space<hbm>> -> memref<1x4x10240xf32, #tpu.memory_space<hbm>>
      %dma_start3A_14 = tpu.memref_squeeze %dma_start3A_13 : memref<1x4x10240xf32, #tpu.memory_space<hbm>> -> memref<4x10240xf32, #tpu.memory_space<hbm>>
      %dma_start3A_15 = arith.constant 0 : i32
      %dma_start3A_16 = arith.constant 0 : i32
      %dma_start3A_17 = tpu.memref_slice %arg5[%add3A, %dma_start3A_15, %dma_start3A_16] : memref<32x4x10240xf32, #tpu.memory_space<hbm>> -> memref<1x4x10240xf32, #tpu.memory_space<hbm>>
      %dma_start3A_18 = tpu.memref_squeeze %dma_start3A_17 : memref<1x4x10240xf32, #tpu.memory_space<hbm>> -> memref<4x10240xf32, #tpu.memory_space<hbm>>
      tpu.enqueue_dma source(%arg9 : memref<4x10240xf32, #tpu.memory_space<vmem>>) target(%dma_start3A_18 : memref<4x10240xf32, #tpu.memory_space<hbm>>) target_semaphore(%run_scoped3A : memref<!tpu.dma_semaphore, #tpu.memory_space<semaphore_mem>>)
      %dma_wait3A = arith.constant 0 : i32
      %dma_wait3A_19 = arith.constant 0 : i32
      %dma_wait3A_20 = tpu.memref_slice %arg5[%add3A, %dma_wait3A, %dma_wait3A_19] : memref<32x4x10240xf32, #tpu.memory_space<hbm>> -> memref<1x4x10240xf32, #tpu.memory_space<hbm>>
      %dma_wait3A_21 = tpu.memref_squeeze %dma_wait3A_20 : memref<1x4x10240xf32, #tpu.memory_space<hbm>> -> memref<4x10240xf32, #tpu.memory_space<hbm>>
      %dma_wait3A_22 = arith.constant 0 : i32
      %dma_wait3A_23 = arith.constant 0 : i32
      %dma_wait3A_24 = tpu.memref_slice %arg5[%add3A, %dma_wait3A_22, %dma_wait3A_23] : memref<32x4x10240xf32, #tpu.memory_space<hbm>> -> memref<1x4x10240xf32, #tpu.memory_space<hbm>>
      %dma_wait3A_25 = tpu.memref_squeeze %dma_wait3A_24 : memref<1x4x10240xf32, #tpu.memory_space<hbm>> -> memref<4x10240xf32, #tpu.memory_space<hbm>>
      tpu.wait_dma2 semaphore(%run_scoped3A : memref<!tpu.dma_semaphore, #tpu.memory_space<semaphore_mem>>) src(%arg9 : memref<4x10240xf32, #tpu.memory_space<vmem>>) dst(%dma_wait3A_25 : memref<4x10240xf32, #tpu.memory_space<hbm>>)
      tpu.yield
    }) : () -> ()
    return
  }
}

#map = affine_map<(d0, d1) -> (0, 0, 0)>
#map1 = affine_map<(d0, d1) -> (0)>
module attributes {stable_mosaic.version = 14 : i64} {
  func.func @_agg_body(%arg0: i32, %arg1: i32, %arg2: memref<32x4x10240xf32, #tpu.memory_space<hbm>>, %arg3: memref<320000xi32, #tpu.memory_space<hbm>>, %arg4: memref<320000xi32, #tpu.memory_space<hbm>>, %arg5: memref<32x4x10240xf32, #tpu.memory_space<hbm>>, %arg6: memref<2000xi32, #tpu.memory_space<vmem>>, %arg7: memref<2000xi32, #tpu.memory_space<vmem>>, %arg8: memref<4x10240xf32, #tpu.memory_space<vmem>>, %arg9: memref<4x10240xf32, #tpu.memory_space<vmem>>) attributes {dimension_semantics = [#tpu.dimension_semantics<core_parallel>, #tpu.dimension_semantics<subcore_parallel>], iteration_bounds = array<i64: 2, 16>, scalar_prefetch = 0 : i64, scratch_operands = 4 : i64, tpu.core_type = #tpu.core_type<sc_vector_subcore>, window_params = [{transform_indices = #map}, {transform_indices = #map1}, {transform_indices = #map1}, {transform_indices = #map}]} {
    %mul3A = arith.constant 2 : i32
    %mul3A_0 = arith.muli %arg1, %mul3A : i32
    %add3A = arith.addi %mul3A_0, %arg0 : i32
    %scan3A = arith.constant 0 : i32
    %scan3A_1 = arith.constant 0 : i32
    %scan3A_2 = arith.constant 2560 : i32
    %scan3A_3 = arith.addi %scan3A_1, %scan3A_2 : i32
    %scan3A_4 = arith.constant 1 : i32
    scf.for %scan3A_12 = %scan3A_1 to %scan3A_3 step %scan3A_4  : i32 {
      %broadcast_in_dim3A = arith.constant 0.000000e+00 : f32
      %broadcast_in_dim3A_13 = vector.broadcast %broadcast_in_dim3A : f32 to vector<16xf32>
      %jit3A = arith.constant 640 : i32
      %div3A = arith.divsi %scan3A_12, %jit3A : i32
      %sign3A = arith.constant 0 : i32
      %sign3A_14 = arith.cmpi sgt, %scan3A_12, %sign3A : i32
      %sign3A_15 = arith.extui %sign3A_14 : i1 to i32
      %sign3A_16 = arith.constant 0 : i32
      %sign3A_17 = arith.cmpi slt, %scan3A_12, %sign3A_16 : i32
      %sign3A_18 = arith.extui %sign3A_17 : i1 to i32
      %sign3A_19 = arith.subi %sign3A_15, %sign3A_18 : i32
      %sign3A_20 = arith.constant 0 : i32
      %sign3A_21 = arith.cmpi sgt, %jit3A, %sign3A_20 : i32
      %sign3A_22 = arith.extui %sign3A_21 : i1 to i32
      %sign3A_23 = arith.constant 0 : i32
      %sign3A_24 = arith.cmpi slt, %jit3A, %sign3A_23 : i32
      %sign3A_25 = arith.extui %sign3A_24 : i1 to i32
      %sign3A_26 = arith.subi %sign3A_22, %sign3A_25 : i32
      %ne3A = arith.cmpi ne, %sign3A_19, %sign3A_26 : i32
      %rem3A = arith.remsi %scan3A_12, %jit3A : i32
      %ne3A_27 = arith.constant 0 : i32
      %ne3A_28 = arith.cmpi ne, %rem3A, %ne3A_27 : i32
      %and3A = arith.andi %ne3A, %ne3A_28 : i1
      %sub3A = arith.constant 1 : i32
      %sub3A_29 = arith.subi %div3A, %sub3A : i32
      %select_n3A = arith.select %and3A, %sub3A_29, %div3A : i32
      %jit3A_30 = arith.constant 640 : i32
      %eq3A = arith.constant 0 : i32
      %eq3A_31 = arith.cmpi eq, %jit3A_30, %eq3A : i32
      %jit3A_32 = arith.constant 1 : i32
      %select_n3A_33 = arith.select %eq3A_31, %jit3A_32, %jit3A_30 : i32
      %rem3A_34 = arith.remsi %scan3A_12, %select_n3A_33 : i32
      %ne3A_35 = arith.constant 0 : i32
      %ne3A_36 = arith.cmpi ne, %rem3A_34, %ne3A_35 : i32
      %lt3A = arith.constant 0 : i32
      %lt3A_37 = arith.cmpi slt, %rem3A_34, %lt3A : i32
      %lt3A_38 = arith.constant 0 : i32
      %lt3A_39 = arith.cmpi slt, %select_n3A_33, %lt3A_38 : i32
      %ne3A_40 = arith.xori %lt3A_37, %lt3A_39 : i1
      %and3A_41 = arith.andi %ne3A_40, %ne3A_36 : i1
      %add3A_42 = arith.addi %rem3A_34, %select_n3A_33 : i32
      %select_n3A_43 = arith.select %and3A_41, %add3A_42, %rem3A_34 : i32
      %mul3A_44 = arith.constant 16 : i32
      %mul3A_45 = arith.muli %select_n3A_43, %mul3A_44 : i32
      %swap3A = arith.index_cast %select_n3A : i32 to index
      %swap3A_46 = arith.index_cast %mul3A_45 : i32 to index
      %swap3A_47 = tpu.vector_load %arg9[%swap3A, %swap3A_46] {strides = array<i32>} : memref<4x10240xf32, #tpu.memory_space<vmem>>, vector<16xf32>,
      tpu.vector_store %arg9[%swap3A, %swap3A_46], %broadcast_in_dim3A_13 {strides = array<i32>} : memref<4x10240xf32, #tpu.memory_space<vmem>>, vector<16xf32>,
    }
    %scan3A_5 = arith.constant 2560 : i32
    "tpu.region"() ({
      %run_scoped3A = tpu.sem_alloc : memref<!tpu.dma_semaphore, #tpu.memory_space<semaphore_mem>>
      %dma_start3A = arith.constant 0 : i32
      %dma_start3A_12 = arith.constant 0 : i32
      %dma_start3A_13 = tpu.memref_slice %arg2[%add3A, %dma_start3A, %dma_start3A_12] : memref<32x4x10240xf32, #tpu.memory_space<hbm>> -> memref<1x4x10240xf32, #tpu.memory_space<hbm>>
      %dma_start3A_14 = tpu.memref_squeeze %dma_start3A_13 : memref<1x4x10240xf32, #tpu.memory_space<hbm>> -> memref<4x10240xf32, #tpu.memory_space<hbm>>
      %dma_start3A_15 = arith.constant 0 : i32
      %dma_start3A_16 = arith.constant 0 : i32
      %dma_start3A_17 = tpu.memref_slice %arg2[%add3A, %dma_start3A_15, %dma_start3A_16] : memref<32x4x10240xf32, #tpu.memory_space<hbm>> -> memref<1x4x10240xf32, #tpu.memory_space<hbm>>
      %dma_start3A_18 = tpu.memref_squeeze %dma_start3A_17 : memref<1x4x10240xf32, #tpu.memory_space<hbm>> -> memref<4x10240xf32, #tpu.memory_space<hbm>>
      tpu.enqueue_dma source(%dma_start3A_18 : memref<4x10240xf32, #tpu.memory_space<hbm>>) target(%arg8 : memref<4x10240xf32, #tpu.memory_space<vmem>>) target_semaphore(%run_scoped3A : memref<!tpu.dma_semaphore, #tpu.memory_space<semaphore_mem>>)
      %dma_wait3A = arith.constant 0 : i32
      %dma_wait3A_19 = arith.constant 0 : i32
      %dma_wait3A_20 = tpu.memref_slice %arg2[%add3A, %dma_wait3A, %dma_wait3A_19] : memref<32x4x10240xf32, #tpu.memory_space<hbm>> -> memref<1x4x10240xf32, #tpu.memory_space<hbm>>
      %dma_wait3A_21 = tpu.memref_squeeze %dma_wait3A_20 : memref<1x4x10240xf32, #tpu.memory_space<hbm>> -> memref<4x10240xf32, #tpu.memory_space<hbm>>
      %dma_wait3A_22 = arith.constant 0 : i32
      %dma_wait3A_23 = arith.constant 0 : i32
      %dma_wait3A_24 = tpu.memref_slice %arg2[%add3A, %dma_wait3A_22, %dma_wait3A_23] : memref<32x4x10240xf32, #tpu.memory_space<hbm>> -> memref<1x4x10240xf32, #tpu.memory_space<hbm>>
      %dma_wait3A_25 = tpu.memref_squeeze %dma_wait3A_24 : memref<1x4x10240xf32, #tpu.memory_space<hbm>> -> memref<4x10240xf32, #tpu.memory_space<hbm>>
      tpu.wait_dma2 semaphore(%run_scoped3A : memref<!tpu.dma_semaphore, #tpu.memory_space<semaphore_mem>>) src(%dma_wait3A_25 : memref<4x10240xf32, #tpu.memory_space<hbm>>) dst(%arg8 : memref<4x10240xf32, #tpu.memory_space<vmem>>)
      tpu.yield
    }) : () -> ()
    %scan3A_6 = arith.constant 0 : i32
    %scan3A_7 = arith.constant 0 : i32
    %scan3A_8 = arith.constant 160 : i32
    %scan3A_9 = arith.addi %scan3A_7, %scan3A_8 : i32
    %scan3A_10 = arith.constant 1 : i32
    scf.for %scan3A_12 = %scan3A_7 to %scan3A_9 step %scan3A_10  : i32 {
      %mul3A_13 = arith.constant 2000 : i32
      %mul3A_14 = arith.muli %scan3A_12, %mul3A_13 : i32
      "tpu.region"() ({
        %run_scoped3A = tpu.sem_alloc : memref<!tpu.dma_semaphore, #tpu.memory_space<semaphore_mem>>
        %dma_start3A = tpu.memref_slice %arg3[%mul3A_14] : memref<320000xi32, #tpu.memory_space<hbm>> -> memref<2000xi32, #tpu.memory_space<hbm>>
        %dma_start3A_19 = tpu.memref_slice %arg3[%mul3A_14] : memref<320000xi32, #tpu.memory_space<hbm>> -> memref<2000xi32, #tpu.memory_space<hbm>>
        tpu.enqueue_dma source(%dma_start3A_19 : memref<2000xi32, #tpu.memory_space<hbm>>) target(%arg6 : memref<2000xi32, #tpu.memory_space<vmem>>) target_semaphore(%run_scoped3A : memref<!tpu.dma_semaphore, #tpu.memory_space<semaphore_mem>>)
        %dma_wait3A = tpu.memref_slice %arg3[%mul3A_14] : memref<320000xi32, #tpu.memory_space<hbm>> -> memref<2000xi32, #tpu.memory_space<hbm>>
        %dma_wait3A_20 = tpu.memref_slice %arg3[%mul3A_14] : memref<320000xi32, #tpu.memory_space<hbm>> -> memref<2000xi32, #tpu.memory_space<hbm>>
        tpu.wait_dma2 semaphore(%run_scoped3A : memref<!tpu.dma_semaphore, #tpu.memory_space<semaphore_mem>>) src(%dma_wait3A_20 : memref<2000xi32, #tpu.memory_space<hbm>>) dst(%arg6 : memref<2000xi32, #tpu.memory_space<vmem>>)
        tpu.yield
      }) : () -> ()
      %mul3A_15 = arith.constant 2000 : i32
      %mul3A_16 = arith.muli %scan3A_12, %mul3A_15 : i32
      "tpu.region"() ({
        %run_scoped3A = tpu.sem_alloc : memref<!tpu.dma_semaphore, #tpu.memory_space<semaphore_mem>>
        %dma_start3A = tpu.memref_slice %arg4[%mul3A_16] : memref<320000xi32, #tpu.memory_space<hbm>> -> memref<2000xi32, #tpu.memory_space<hbm>>
        %dma_start3A_19 = tpu.memref_slice %arg4[%mul3A_16] : memref<320000xi32, #tpu.memory_space<hbm>> -> memref<2000xi32, #tpu.memory_space<hbm>>
        tpu.enqueue_dma source(%dma_start3A_19 : memref<2000xi32, #tpu.memory_space<hbm>>) target(%arg7 : memref<2000xi32, #tpu.memory_space<vmem>>) target_semaphore(%run_scoped3A : memref<!tpu.dma_semaphore, #tpu.memory_space<semaphore_mem>>)
        %dma_wait3A = tpu.memref_slice %arg4[%mul3A_16] : memref<320000xi32, #tpu.memory_space<hbm>> -> memref<2000xi32, #tpu.memory_space<hbm>>
        %dma_wait3A_20 = tpu.memref_slice %arg4[%mul3A_16] : memref<320000xi32, #tpu.memory_space<hbm>> -> memref<2000xi32, #tpu.memory_space<hbm>>
        tpu.wait_dma2 semaphore(%run_scoped3A : memref<!tpu.dma_semaphore, #tpu.memory_space<semaphore_mem>>) src(%dma_wait3A_20 : memref<2000xi32, #tpu.memory_space<hbm>>) dst(%arg7 : memref<2000xi32, #tpu.memory_space<vmem>>)
        tpu.yield
      }) : () -> ()
      %parallel_loop3A = arith.constant 0 : i32
      %parallel_loop3A_17 = arith.constant 125 : i32
      %parallel_loop3A_18 = arith.constant 1 : i32
      scf.for %parallel_loop3A_19 = %parallel_loop3A to %parallel_loop3A_17 step %parallel_loop3A_18  : i32 {
        %parallel_loop3A_20 = arith.constant 16 : i32
        %parallel_loop3A_21 = arith.muli %parallel_loop3A_19, %parallel_loop3A_20 : i32
        %parallel_loop3A_22 = arith.index_cast %parallel_loop3A_21 : i32 to index
        %parallel_loop3A_23 = tpu.vector_load %arg6[%parallel_loop3A_22] {strides = array<i32>} : memref<2000xi32, #tpu.memory_space<vmem>>, vector<16xi32>,
        %parallel_loop3A_24 = arith.constant 16 : i32
        %parallel_loop3A_25 = arith.muli %parallel_loop3A_19, %parallel_loop3A_24 : i32
        %parallel_loop3A_26 = arith.index_cast %parallel_loop3A_25 : i32 to index
        %parallel_loop3A_27 = tpu.vector_load %arg7[%parallel_loop3A_26] {strides = array<i32>} : memref<2000xi32, #tpu.memory_space<vmem>>, vector<16xi32>,
        %parallel_loop3A_28 = arith.constant 0 : i32
        %parallel_loop3A_29 = vector.broadcast %parallel_loop3A_28 : i32 to vector<16xi32>
        %parallel_loop3A_30 = arith.constant 1 : i32
        %parallel_loop3A_31 = vector.broadcast %parallel_loop3A_30 : i32 to vector<16xi32>
        %parallel_loop3A_32 = arith.constant 2 : i32
        %parallel_loop3A_33 = vector.broadcast %parallel_loop3A_32 : i32 to vector<16xi32>
        %parallel_loop3A_34 = arith.constant 3 : i32
        %parallel_loop3A_35 = vector.broadcast %parallel_loop3A_34 : i32 to vector<16xi32>
        %parallel_loop3A_36 = tpu.vector_load_idx %arg8[%parallel_loop3A_29, %parallel_loop3A_23] : memref<4x10240xf32, #tpu.memory_space<vmem>>[vector<16xi32>, vector<16xi32>], vector<16xf32>,
        %parallel_loop3A_37 = tpu.vector_load_idx %arg8[%parallel_loop3A_31, %parallel_loop3A_23] : memref<4x10240xf32, #tpu.memory_space<vmem>>[vector<16xi32>, vector<16xi32>], vector<16xf32>,
        %parallel_loop3A_38 = tpu.vector_load_idx %arg8[%parallel_loop3A_33, %parallel_loop3A_23] : memref<4x10240xf32, #tpu.memory_space<vmem>>[vector<16xi32>, vector<16xi32>], vector<16xf32>,
        %parallel_loop3A_39 = tpu.vector_load_idx %arg8[%parallel_loop3A_35, %parallel_loop3A_23] : memref<4x10240xf32, #tpu.memory_space<vmem>>[vector<16xi32>, vector<16xi32>], vector<16xf32>,
        %parallel_loop3A_40 = arith.constant true
        %parallel_loop3A_41 = vector.broadcast %parallel_loop3A_40 : i1 to vector<16xi1>
        %parallel_loop3A_42, %parallel_loop3A_43 = tpu.scan_count mask(%parallel_loop3A_41 : vector<16xi1>) value(%parallel_loop3A_27 : vector<16xi32>) : vector<16xi1>, vector<16xi32>
        tpu.vector_store_idx %arg9[%parallel_loop3A_29, %parallel_loop3A_27], %parallel_loop3A_36 masked %parallel_loop3A_42 {add = true} : memref<4x10240xf32, #tpu.memory_space<vmem>>[vector<16xi32>, vector<16xi32>], vector<16xf32>, vector<16xi1>
        tpu.vector_store_idx %arg9[%parallel_loop3A_31, %parallel_loop3A_27], %parallel_loop3A_37 masked %parallel_loop3A_42 {add = true} : memref<4x10240xf32, #tpu.memory_space<vmem>>[vector<16xi32>, vector<16xi32>], vector<16xf32>, vector<16xi1>
        tpu.vector_store_idx %arg9[%parallel_loop3A_33, %parallel_loop3A_27], %parallel_loop3A_38 masked %parallel_loop3A_42 {add = true} : memref<4x10240xf32, #tpu.memory_space<vmem>>[vector<16xi32>, vector<16xi32>], vector<16xf32>, vector<16xi1>
        tpu.vector_store_idx %arg9[%parallel_loop3A_35, %parallel_loop3A_27], %parallel_loop3A_39 masked %parallel_loop3A_42 {add = true} : memref<4x10240xf32, #tpu.memory_space<vmem>>[vector<16xi32>, vector<16xi32>], vector<16xf32>, vector<16xi1>
        %parallel_loop3A_44 = arith.constant dense<true> : vector<16xi1>
        %parallel_loop3A_45 = arith.xori %parallel_loop3A_42, %parallel_loop3A_44 : vector<16xi1>
        %parallel_loop3A_46 = scf.while (%while3A = %parallel_loop3A_45) : (vector<16xi1>) -> vector<16xi1> {
          %parallel_loop3A_47 = arith.constant 1.000000e+00 : f32
          %parallel_loop3A_48 = arith.constant 0.000000e+00 : f32
          %parallel_loop3A_49 = vector.broadcast %parallel_loop3A_47 : f32 to vector<16xf32>
          %parallel_loop3A_50 = vector.broadcast %parallel_loop3A_48 : f32 to vector<16xf32>
          %parallel_loop3A_51 = arith.select %while3A, %parallel_loop3A_49, %parallel_loop3A_50 : vector<16xi1>, vector<16xf32>
          %parallel_loop3A_52 = arith.constant true
          %parallel_loop3A_53 = vector.broadcast %parallel_loop3A_52 : i1 to vector<16xi1>
          %parallel_loop3A_54 = tpu.scan <max>, %parallel_loop3A_51 masked %parallel_loop3A_53 : vector<16xf32>, vector<16xi1> -> vector<16xf32>
          %parallel_loop3A_55 = vector.extract %parallel_loop3A_54[15] : f32 from vector<16xf32>
          %parallel_loop3A_56 = arith.constant 0.000000e+00 : f32
          %parallel_loop3A_57 = arith.cmpf ogt, %parallel_loop3A_55, %parallel_loop3A_56 : f32
          scf.condition(%parallel_loop3A_57) %while3A : vector<16xi1>
        } do {
        ^bb0(%while3A: vector<16xi1>):
          %parallel_loop3A_47, %parallel_loop3A_48 = tpu.scan_count mask(%while3A : vector<16xi1>) value(%parallel_loop3A_27 : vector<16xi32>) : vector<16xi1>, vector<16xi32>
          tpu.vector_store_idx %arg9[%parallel_loop3A_29, %parallel_loop3A_27], %parallel_loop3A_36 masked %parallel_loop3A_47 {add = true} : memref<4x10240xf32, #tpu.memory_space<vmem>>[vector<16xi32>, vector<16xi32>], vector<16xf32>, vector<16xi1>
          tpu.vector_store_idx %arg9[%parallel_loop3A_31, %parallel_loop3A_27], %parallel_loop3A_37 masked %parallel_loop3A_47 {add = true} : memref<4x10240xf32, #tpu.memory_space<vmem>>[vector<16xi32>, vector<16xi32>], vector<16xf32>, vector<16xi1>
          tpu.vector_store_idx %arg9[%parallel_loop3A_33, %parallel_loop3A_27], %parallel_loop3A_38 masked %parallel_loop3A_47 {add = true} : memref<4x10240xf32, #tpu.memory_space<vmem>>[vector<16xi32>, vector<16xi32>], vector<16xf32>, vector<16xi1>
          tpu.vector_store_idx %arg9[%parallel_loop3A_35, %parallel_loop3A_27], %parallel_loop3A_39 masked %parallel_loop3A_47 {add = true} : memref<4x10240xf32, #tpu.memory_space<vmem>>[vector<16xi32>, vector<16xi32>], vector<16xf32>, vector<16xi1>
          %parallel_loop3A_49 = arith.constant dense<true> : vector<16xi1>
          %parallel_loop3A_50 = arith.xori %parallel_loop3A_47, %parallel_loop3A_49 : vector<16xi1>
          %parallel_loop3A_51 = arith.andi %while3A, %parallel_loop3A_50 : vector<16xi1>
          scf.yield %parallel_loop3A_51 : vector<16xi1>
        }
      } {sc.loop_unroll_factor = 2 : i64, sc.parallel_access}
    }
    %scan3A_11 = arith.constant 160 : i32
    "tpu.region"() ({
      %run_scoped3A = tpu.sem_alloc : memref<!tpu.dma_semaphore, #tpu.memory_space<semaphore_mem>>
      %dma_start3A = arith.constant 0 : i32
      %dma_start3A_12 = arith.constant 0 : i32
      %dma_start3A_13 = tpu.memref_slice %arg5[%add3A, %dma_start3A, %dma_start3A_12] : memref<32x4x10240xf32, #tpu.memory_space<hbm>> -> memref<1x4x10240xf32, #tpu.memory_space<hbm>>
      %dma_start3A_14 = tpu.memref_squeeze %dma_start3A_13 : memref<1x4x10240xf32, #tpu.memory_space<hbm>> -> memref<4x10240xf32, #tpu.memory_space<hbm>>
      %dma_start3A_15 = arith.constant 0 : i32
      %dma_start3A_16 = arith.constant 0 : i32
      %dma_start3A_17 = tpu.memref_slice %arg5[%add3A, %dma_start3A_15, %dma_start3A_16] : memref<32x4x10240xf32, #tpu.memory_space<hbm>> -> memref<1x4x10240xf32, #tpu.memory_space<hbm>>
      %dma_start3A_18 = tpu.memref_squeeze %dma_start3A_17 : memref<1x4x10240xf32, #tpu.memory_space<hbm>> -> memref<4x10240xf32, #tpu.memory_space<hbm>>
      tpu.enqueue_dma source(%arg9 : memref<4x10240xf32, #tpu.memory_space<vmem>>) target(%dma_start3A_18 : memref<4x10240xf32, #tpu.memory_space<hbm>>) target_semaphore(%run_scoped3A : memref<!tpu.dma_semaphore, #tpu.memory_space<semaphore_mem>>)
      %dma_wait3A = arith.constant 0 : i32
      %dma_wait3A_19 = arith.constant 0 : i32
      %dma_wait3A_20 = tpu.memref_slice %arg5[%add3A, %dma_wait3A, %dma_wait3A_19] : memref<32x4x10240xf32, #tpu.memory_space<hbm>> -> memref<1x4x10240xf32, #tpu.memory_space<hbm>>
      %dma_wait3A_21 = tpu.memref_squeeze %dma_wait3A_20 : memref<1x4x10240xf32, #tpu.memory_space<hbm>> -> memref<4x10240xf32, #tpu.memory_space<hbm>>
      %dma_wait3A_22 = arith.constant 0 : i32
      %dma_wait3A_23 = arith.constant 0 : i32
      %dma_wait3A_24 = tpu.memref_slice %arg5[%add3A, %dma_wait3A_22, %dma_wait3A_23] : memref<32x4x10240xf32, #tpu.memory_space<hbm>> -> memref<1x4x10240xf32, #tpu.memory_space<hbm>>
      %dma_wait3A_25 = tpu.memref_squeeze %dma_wait3A_24 : memref<1x4x10240xf32, #tpu.memory_space<hbm>> -> memref<4x10240xf32, #tpu.memory_space<hbm>>
      tpu.wait_dma2 semaphore(%run_scoped3A : memref<!tpu.dma_semaphore, #tpu.memory_space<semaphore_mem>>) src(%arg9 : memref<4x10240xf32, #tpu.memory_space<vmem>>) dst(%dma_wait3A_25 : memref<4x10240xf32, #tpu.memory_space<hbm>>)
      tpu.yield
    }) : () -> ()
    return
  }
}

#map = affine_map<(d0, d1) -> (0)>
#map1 = affine_map<(d0, d1) -> (0, 0, 0)>
module attributes {stable_mosaic.version = 14 : i64} {
  func.func @_deg_body(%arg0: i32, %arg1: i32, %arg2: memref<320000xi32, #tpu.memory_space<hbm>>, %arg3: memref<32x10x1024xf32, #tpu.memory_space<hbm>>, %arg4: memref<2000xi32, #tpu.memory_space<vmem>>, %arg5: memref<10x1024xf32, #tpu.memory_space<vmem>>, %arg6: memref<1x16xf32, #tpu.memory_space<vmem>>) attributes {dimension_semantics = [#tpu.dimension_semantics<core_parallel>, #tpu.dimension_semantics<subcore_parallel>], iteration_bounds = array<i64: 2, 16>, scalar_prefetch = 0 : i64, scratch_operands = 3 : i64, tpu.core_type = #tpu.core_type<sc_vector_subcore>, window_params = [{transform_indices = #map}, {transform_indices = #map1}]} {
    %mul3A = arith.constant 2 : i32
    %mul3A_0 = arith.muli %arg1, %mul3A : i32
    %add3A = arith.addi %mul3A_0, %arg0 : i32
    %scan3A = arith.constant 0 : i32
    %scan3A_1 = arith.constant 0 : i32
    %scan3A_2 = arith.constant 640 : i32
    %scan3A_3 = arith.addi %scan3A_1, %scan3A_2 : i32
    %scan3A_4 = arith.constant 1 : i32
    scf.for %scan3A_18 = %scan3A_1 to %scan3A_3 step %scan3A_4  : i32 {
      %broadcast_in_dim3A_19 = arith.constant 0.000000e+00 : f32
      %broadcast_in_dim3A_20 = vector.broadcast %broadcast_in_dim3A_19 : f32 to vector<16xf32>
      %jit3A = arith.constant 64 : i32
      %div3A = arith.divsi %scan3A_18, %jit3A : i32
      %sign3A = arith.constant 0 : i32
      %sign3A_21 = arith.cmpi sgt, %scan3A_18, %sign3A : i32
      %sign3A_22 = arith.extui %sign3A_21 : i1 to i32
      %sign3A_23 = arith.constant 0 : i32
      %sign3A_24 = arith.cmpi slt, %scan3A_18, %sign3A_23 : i32
      %sign3A_25 = arith.extui %sign3A_24 : i1 to i32
      %sign3A_26 = arith.subi %sign3A_22, %sign3A_25 : i32
      %sign3A_27 = arith.constant 0 : i32
      %sign3A_28 = arith.cmpi sgt, %jit3A, %sign3A_27 : i32
      %sign3A_29 = arith.extui %sign3A_28 : i1 to i32
      %sign3A_30 = arith.constant 0 : i32
      %sign3A_31 = arith.cmpi slt, %jit3A, %sign3A_30 : i32
      %sign3A_32 = arith.extui %sign3A_31 : i1 to i32
      %sign3A_33 = arith.subi %sign3A_29, %sign3A_32 : i32
      %ne3A = arith.cmpi ne, %sign3A_26, %sign3A_33 : i32
      %rem3A = arith.remsi %scan3A_18, %jit3A : i32
      %ne3A_34 = arith.constant 0 : i32
      %ne3A_35 = arith.cmpi ne, %rem3A, %ne3A_34 : i32
      %and3A = arith.andi %ne3A, %ne3A_35 : i1
      %sub3A = arith.constant 1 : i32
      %sub3A_36 = arith.subi %div3A, %sub3A : i32
      %select_n3A = arith.select %and3A, %sub3A_36, %div3A : i32
      %jit3A_37 = arith.constant 64 : i32
      %eq3A = arith.constant 0 : i32
      %eq3A_38 = arith.cmpi eq, %jit3A_37, %eq3A : i32
      %jit3A_39 = arith.constant 1 : i32
      %select_n3A_40 = arith.select %eq3A_38, %jit3A_39, %jit3A_37 : i32
      %rem3A_41 = arith.remsi %scan3A_18, %select_n3A_40 : i32
      %ne3A_42 = arith.constant 0 : i32
      %ne3A_43 = arith.cmpi ne, %rem3A_41, %ne3A_42 : i32
      %lt3A = arith.constant 0 : i32
      %lt3A_44 = arith.cmpi slt, %rem3A_41, %lt3A : i32
      %lt3A_45 = arith.constant 0 : i32
      %lt3A_46 = arith.cmpi slt, %select_n3A_40, %lt3A_45 : i32
      %ne3A_47 = arith.xori %lt3A_44, %lt3A_46 : i1
      %and3A_48 = arith.andi %ne3A_47, %ne3A_43 : i1
      %add3A_49 = arith.addi %rem3A_41, %select_n3A_40 : i32
      %select_n3A_50 = arith.select %and3A_48, %add3A_49, %rem3A_41 : i32
      %mul3A_51 = arith.constant 16 : i32
      %mul3A_52 = arith.muli %select_n3A_50, %mul3A_51 : i32
      %swap3A_53 = arith.index_cast %select_n3A : i32 to index
      %swap3A_54 = arith.index_cast %mul3A_52 : i32 to index
      %swap3A_55 = tpu.vector_load %arg5[%swap3A_53, %swap3A_54] {strides = array<i32>} : memref<10x1024xf32, #tpu.memory_space<vmem>>, vector<16xf32>,
      tpu.vector_store %arg5[%swap3A_53, %swap3A_54], %broadcast_in_dim3A_20 {strides = array<i32>} : memref<10x1024xf32, #tpu.memory_space<vmem>>, vector<16xf32>,
    }
    %scan3A_5 = arith.constant 640 : i32
    %broadcast_in_dim3A = arith.constant 1.000000e+00 : f32
    %broadcast_in_dim3A_6 = vector.broadcast %broadcast_in_dim3A : f32 to vector<16xf32>
    %swap3A = arith.constant 0 : i32
    %swap3A_7 = arith.index_cast %swap3A : i32 to index
    %swap3A_8 = arith.constant 0 : index
    %swap3A_9 = tpu.vector_load %arg6[%swap3A_7, %swap3A_8] {strides = array<i32>} : memref<1x16xf32, #tpu.memory_space<vmem>>, vector<16xf32>,
    tpu.vector_store %arg6[%swap3A_7, %swap3A_8], %broadcast_in_dim3A_6 {strides = array<i32>} : memref<1x16xf32, #tpu.memory_space<vmem>>, vector<16xf32>,
    %mul3A_10 = arith.constant 10000 : i32
    %mul3A_11 = arith.muli %add3A, %mul3A_10 : i32
    %scan3A_12 = arith.constant 0 : i32
    %scan3A_13 = arith.constant 0 : i32
    %scan3A_14 = arith.constant 5 : i32
    %scan3A_15 = arith.addi %scan3A_13, %scan3A_14 : i32
    %scan3A_16 = arith.constant 1 : i32
    scf.for %scan3A_18 = %scan3A_13 to %scan3A_15 step %scan3A_16  : i32 {
      %mul3A_19 = arith.constant 2000 : i32
      %mul3A_20 = arith.muli %scan3A_18, %mul3A_19 : i32
      %add3A_21 = arith.addi %mul3A_11, %mul3A_20 : i32
      "tpu.region"() ({
        %run_scoped3A = tpu.sem_alloc : memref<!tpu.dma_semaphore, #tpu.memory_space<semaphore_mem>>
        %dma_start3A = tpu.memref_slice %arg2[%add3A_21] : memref<320000xi32, #tpu.memory_space<hbm>> -> memref<2000xi32, #tpu.memory_space<hbm>>
        %dma_start3A_28 = tpu.memref_slice %arg2[%add3A_21] : memref<320000xi32, #tpu.memory_space<hbm>> -> memref<2000xi32, #tpu.memory_space<hbm>>
        tpu.enqueue_dma source(%dma_start3A_28 : memref<2000xi32, #tpu.memory_space<hbm>>) target(%arg4 : memref<2000xi32, #tpu.memory_space<vmem>>) target_semaphore(%run_scoped3A : memref<!tpu.dma_semaphore, #tpu.memory_space<semaphore_mem>>)
        %dma_wait3A = tpu.memref_slice %arg2[%add3A_21] : memref<320000xi32, #tpu.memory_space<hbm>> -> memref<2000xi32, #tpu.memory_space<hbm>>
        %dma_wait3A_29 = tpu.memref_slice %arg2[%add3A_21] : memref<320000xi32, #tpu.memory_space<hbm>> -> memref<2000xi32, #tpu.memory_space<hbm>>
        tpu.wait_dma2 semaphore(%run_scoped3A : memref<!tpu.dma_semaphore, #tpu.memory_space<semaphore_mem>>) src(%dma_wait3A_29 : memref<2000xi32, #tpu.memory_space<hbm>>) dst(%arg4 : memref<2000xi32, #tpu.memory_space<vmem>>)
        tpu.yield
      }) : () -> ()
      %scan3A_22 = arith.constant 0 : i32
      %scan3A_23 = arith.constant 0 : i32
      %scan3A_24 = arith.constant 125 : i32
      %scan3A_25 = arith.addi %scan3A_23, %scan3A_24 : i32
      %scan3A_26 = arith.constant 1 : i32
      scf.for %scan3A_28 = %scan3A_23 to %scan3A_25 step %scan3A_26  : i32 {
        %mul3A_29 = arith.constant 16 : i32
        %mul3A_30 = arith.muli %scan3A_28, %mul3A_29 : i32
        %get3A = arith.index_cast %mul3A_30 : i32 to index
        %get3A_31 = tpu.vector_load %arg4[%get3A] {strides = array<i32>} : memref<2000xi32, #tpu.memory_space<vmem>>, vector<16xi32>,
        %shift_right_logical3A = arith.constant 10 : i32
        %shift_right_logical3A_32 = vector.broadcast %shift_right_logical3A : i32 to vector<16xi32>
        %shift_right_logical3A_33 = arith.shrui %get3A_31, %shift_right_logical3A_32 : vector<16xi32>
        %broadcast_in_dim3A_34 = arith.constant 1023 : i32
        %broadcast_in_dim3A_35 = vector.broadcast %broadcast_in_dim3A_34 : i32 to vector<16xi32>
        %and3A = arith.andi %get3A_31, %broadcast_in_dim3A_35 : vector<16xi32>
        %broadcast_in_dim3A_36 = arith.constant true
        %broadcast_in_dim3A_37 = vector.broadcast %broadcast_in_dim3A_36 : i1 to vector<16xi1>
        %unique3A, %unique3A_38 = tpu.scan_count mask(%broadcast_in_dim3A_37 : vector<16xi1>) value(%get3A_31 : vector<16xi32>) : vector<16xi1>, vector<16xi32>
        %get3A_39 = arith.constant 0 : i32
        %get3A_40 = arith.index_cast %get3A_39 : i32 to index
        %get3A_41 = arith.constant 0 : index
        %get3A_42 = tpu.vector_load %arg6[%get3A_40, %get3A_41] {strides = array<i32>} : memref<1x16xf32, #tpu.memory_space<vmem>>, vector<16xf32>,
        tpu.vector_store_idx %arg5[%shift_right_logical3A_33, %and3A], %get3A_42 masked %unique3A {add = true} : memref<10x1024xf32, #tpu.memory_space<vmem>>[vector<16xi32>, vector<16xi32>], vector<16xf32>, vector<16xi1>
        %not3A = arith.constant dense<true> : vector<16xi1>
        %not3A_43 = arith.xori %unique3A, %not3A : vector<16xi1>
        %while3A = scf.while (%while3A_44 = %not3A_43) : (vector<16xi1>) -> vector<16xi1> {
          %reduce_or3A = arith.constant 1.000000e+00 : f32
          %reduce_or3A_45 = arith.constant 0.000000e+00 : f32
          %reduce_or3A_46 = vector.broadcast %reduce_or3A : f32 to vector<16xf32>
          %reduce_or3A_47 = vector.broadcast %reduce_or3A_45 : f32 to vector<16xf32>
          %reduce_or3A_48 = arith.select %while3A_44, %reduce_or3A_46, %reduce_or3A_47 : vector<16xi1>, vector<16xf32>
          %reduce_or3A_49 = arith.constant true
          %reduce_or3A_50 = vector.broadcast %reduce_or3A_49 : i1 to vector<16xi1>
          %reduce_or3A_51 = tpu.scan <max>, %reduce_or3A_48 masked %reduce_or3A_50 : vector<16xf32>, vector<16xi1> -> vector<16xf32>
          %reduce_or3A_52 = vector.extract %reduce_or3A_51[15] : f32 from vector<16xf32>
          %reduce_or3A_53 = arith.constant 0.000000e+00 : f32
          %reduce_or3A_54 = arith.cmpf ogt, %reduce_or3A_52, %reduce_or3A_53 : f32
          scf.condition(%reduce_or3A_54) %while3A_44 : vector<16xi1>
        } do {
        ^bb0(%while3A_44: vector<16xi1>):
          %unique3A_45, %unique3A_46 = tpu.scan_count mask(%while3A_44 : vector<16xi1>) value(%get3A_31 : vector<16xi32>) : vector<16xi1>, vector<16xi32>
          %get3A_47 = arith.constant 0 : i32
          %get3A_48 = arith.index_cast %get3A_47 : i32 to index
          %get3A_49 = arith.constant 0 : index
          %get3A_50 = tpu.vector_load %arg6[%get3A_48, %get3A_49] {strides = array<i32>} : memref<1x16xf32, #tpu.memory_space<vmem>>, vector<16xf32>,
          tpu.vector_store_idx %arg5[%shift_right_logical3A_33, %and3A], %get3A_50 masked %unique3A_45 {add = true} : memref<10x1024xf32, #tpu.memory_space<vmem>>[vector<16xi32>, vector<16xi32>], vector<16xf32>, vector<16xi1>
          %not3A_51 = arith.constant dense<true> : vector<16xi1>
          %not3A_52 = arith.xori %unique3A_45, %not3A_51 : vector<16xi1>
          %and3A_53 = arith.andi %while3A_44, %not3A_52 : vector<16xi1>
          scf.yield %and3A_53 : vector<16xi1>
        }
      }
      %scan3A_27 = arith.constant 125 : i32
    }
    %scan3A_17 = arith.constant 5 : i32
    "tpu.region"() ({
      %run_scoped3A = tpu.sem_alloc : memref<!tpu.dma_semaphore, #tpu.memory_space<semaphore_mem>>
      %dma_start3A = arith.constant 0 : i32
      %dma_start3A_18 = arith.constant 0 : i32
      %dma_start3A_19 = tpu.memref_slice %arg3[%add3A, %dma_start3A, %dma_start3A_18] : memref<32x10x1024xf32, #tpu.memory_space<hbm>> -> memref<1x10x1024xf32, #tpu.memory_space<hbm>>
      %dma_start3A_20 = tpu.memref_squeeze %dma_start3A_19 : memref<1x10x1024xf32, #tpu.memory_space<hbm>> -> memref<10x1024xf32, #tpu.memory_space<hbm>>
      %dma_start3A_21 = arith.constant 0 : i32
      %dma_start3A_22 = arith.constant 0 : i32
      %dma_start3A_23 = tpu.memref_slice %arg3[%add3A, %dma_start3A_21, %dma_start3A_22] : memref<32x10x1024xf32, #tpu.memory_space<hbm>> -> memref<1x10x1024xf32, #tpu.memory_space<hbm>>
      %dma_start3A_24 = tpu.memref_squeeze %dma_start3A_23 : memref<1x10x1024xf32, #tpu.memory_space<hbm>> -> memref<10x1024xf32, #tpu.memory_space<hbm>>
      tpu.enqueue_dma source(%arg5 : memref<10x1024xf32, #tpu.memory_space<vmem>>) target(%dma_start3A_24 : memref<10x1024xf32, #tpu.memory_space<hbm>>) target_semaphore(%run_scoped3A : memref<!tpu.dma_semaphore, #tpu.memory_space<semaphore_mem>>)
      %dma_wait3A = arith.constant 0 : i32
      %dma_wait3A_25 = arith.constant 0 : i32
      %dma_wait3A_26 = tpu.memref_slice %arg3[%add3A, %dma_wait3A, %dma_wait3A_25] : memref<32x10x1024xf32, #tpu.memory_space<hbm>> -> memref<1x10x1024xf32, #tpu.memory_space<hbm>>
      %dma_wait3A_27 = tpu.memref_squeeze %dma_wait3A_26 : memref<1x10x1024xf32, #tpu.memory_space<hbm>> -> memref<10x1024xf32, #tpu.memory_space<hbm>>
      %dma_wait3A_28 = arith.constant 0 : i32
      %dma_wait3A_29 = arith.constant 0 : i32
      %dma_wait3A_30 = tpu.memref_slice %arg3[%add3A, %dma_wait3A_28, %dma_wait3A_29] : memref<32x10x1024xf32, #tpu.memory_space<hbm>> -> memref<1x10x1024xf32, #tpu.memory_space<hbm>>
      %dma_wait3A_31 = tpu.memref_squeeze %dma_wait3A_30 : memref<1x10x1024xf32, #tpu.memory_space<hbm>> -> memref<10x1024xf32, #tpu.memory_space<hbm>>
      tpu.wait_dma2 semaphore(%run_scoped3A : memref<!tpu.dma_semaphore, #tpu.memory_space<semaphore_mem>>) src(%arg5 : memref<10x1024xf32, #tpu.memory_space<vmem>>) dst(%dma_wait3A_31 : memref<10x1024xf32, #tpu.memory_space<hbm>>)
      tpu.yield
    }) : () -> ()
    return
  }
}

module attributes {stable_mosaic.version = 14 : i64} {
  func.func @_dinv_body(%arg0: i32, %arg1: memref<32x10x1024xf32, #tpu.memory_space<vmem>>, %arg2: memref<10x1024xf32, #tpu.memory_space<vmem>>) attributes {dimension_semantics = [#tpu.dimension_semantics<arbitrary>], iteration_bounds = array<i64: 1>, scalar_prefetch = 0 : i64, scratch_operands = 0 : i64, tpu.core_type = #tpu.core_type<tc>, window_params = [{pipeline_mode = #tpu.pipeline_mode<synchronous>, transform_indices = @transform_0, window_bounds = array<i64: 32, 10, 1024>}, {pipeline_mode = #tpu.pipeline_mode<synchronous>, transform_indices = @transform_1, window_bounds = array<i64: 10, 1024>}]} {
    %get3A = arith.constant 0 : index
    %get3A_0 = arith.constant 0 : index
    %get3A_1 = arith.constant 0 : index
    %get3A_2 = vector.load %arg1[%get3A, %get3A_0, %get3A_1] : memref<32x10x1024xf32, #tpu.memory_space<vmem>>, vector<32x10x1024xf32>
    %reduce_sum3A = arith.constant dense<0.000000e+00> : vector<10x1024xf32>
    %reduce_sum3A_3 = vector.multi_reduction <add>, %get3A_2, %reduce_sum3A [0] : vector<32x10x1024xf32> to vector<10x1024xf32>
    %add3A = arith.constant 1.000000e+00 : f32
    %add3A_4 = vector.broadcast %add3A : f32 to vector<10x1024xf32>
    %add3A_5 = arith.addf %add3A_4, %reduce_sum3A_3 : vector<10x1024xf32>
    %rsqrt3A = math.rsqrt %add3A_5 : vector<10x1024xf32>
    %swap3A = arith.constant 0 : index
    %swap3A_6 = arith.constant 0 : index
    %swap3A_7 = vector.load %arg2[%swap3A, %swap3A_6] : memref<10x1024xf32, #tpu.memory_space<vmem>>, vector<10x1024xf32>
    tpu.vector_store %arg2[%swap3A, %swap3A_6], %rsqrt3A {strides = array<i32>} : memref<10x1024xf32, #tpu.memory_space<vmem>>, vector<10x1024xf32>,
    return
  }
  func.func @transform_0(%arg0: i32) -> (i32, i32, i32) {
    %c0_i32 = arith.constant 0 : i32
    %c0_i32_0 = arith.constant 0 : i32
    %c0_i32_1 = arith.constant 0 : i32
    %c0_i32_2 = arith.constant 0 : i32
    return %c0_i32, %c0_i32_0, %c0_i32_1 : i32, i32, i32
  }
  func.func @transform_1(%arg0: i32) -> (i32, i32) {
    %c0_i32 = arith.constant 0 : i32
    %c0_i32_0 = arith.constant 0 : i32
    %c0_i32_1 = arith.constant 0 : i32
    return %c0_i32, %c0_i32_0 : i32, i32
  }
}

module attributes {stable_mosaic.version = 14 : i64} {
  func.func @_y1_body(%arg0: i32, %arg1: memref<1024x128xf32, #tpu.memory_space<vmem>>, %arg2: memref<128x128xf32, #tpu.memory_space<vmem>>, %arg3: memref<10x1024xf32, #tpu.memory_space<vmem>>, %arg4: memref<128x1024xf32, #tpu.memory_space<vmem>>) attributes {dimension_semantics = [#tpu.dimension_semantics<arbitrary>], iteration_bounds = array<i64: 10>, scalar_prefetch = 0 : i64, scratch_operands = 0 : i64, tpu.core_type = #tpu.core_type<tc>, window_params = [{transform_indices = @transform_0, window_bounds = array<i64: 1024, 128>}, {pipeline_mode = #tpu.pipeline_mode<synchronous>, transform_indices = @transform_1, window_bounds = array<i64: 128, 128>}, {pipeline_mode = #tpu.pipeline_mode<synchronous>, transform_indices = @transform_2, window_bounds = array<i64: 10, 1024>}, {transform_indices = @transform_3, window_bounds = array<i64: 128, 1024>}]} {
    %get3A = arith.constant 0 : index
    %get3A_0 = arith.constant 0 : index
    %get3A_1 = vector.load %arg2[%get3A, %get3A_0] : memref<128x128xf32, #tpu.memory_space<vmem>>, vector<128x128xf32>
    %get3A_2 = arith.constant 0 : index
    %get3A_3 = arith.constant 0 : index
    %get3A_4 = vector.load %arg1[%get3A_2, %get3A_3] : memref<1024x128xf32, #tpu.memory_space<vmem>>, vector<1024x128xf32>
    %dot_general3A = arith.constant dense<0.000000e+00> : vector<128x1024xf32>
    %dot_general3A_5 = tpu.matmul %get3A_1, %get3A_4, %dot_general3A {dimension_numbers = #tpu.dot_dimension_numbers<[0], [1], [1], [0], [0, 1, 1, 0], [], []>, transpose_lhs_hint = false} : vector<128x128xf32>, vector<1024x128xf32>, vector<128x1024xf32> -> vector<128x1024xf32>
    %get3A_6 = arith.index_cast %arg0 : i32 to index
    %get3A_7 = arith.constant 0 : index
    %get3A_8 = vector.load %arg3[%get3A_6, %get3A_7] : memref<10x1024xf32, #tpu.memory_space<vmem>>, vector<1x1024xf32>
    %mul3A = vector.broadcast %get3A_8 : vector<1x1024xf32> to vector<128x1024xf32>
    %mul3A_9 = arith.mulf %dot_general3A_5, %mul3A : vector<128x1024xf32>
    %swap3A = arith.constant 0 : index
    %swap3A_10 = arith.constant 0 : index
    %swap3A_11 = vector.load %arg4[%swap3A, %swap3A_10] : memref<128x1024xf32, #tpu.memory_space<vmem>>, vector<128x1024xf32>
    tpu.vector_store %arg4[%swap3A, %swap3A_10], %mul3A_9 {strides = array<i32>} : memref<128x1024xf32, #tpu.memory_space<vmem>>, vector<128x1024xf32>,
    return
  }
  func.func @transform_0(%arg0: i32) -> (i32, i32) {
    %c0_i32 = arith.constant 0 : i32
    %c0_i32_0 = arith.constant 0 : i32
    return %arg0, %c0_i32 : i32, i32
  }
  func.func @transform_1(%arg0: i32) -> (i32, i32) {
    %c0_i32 = arith.constant 0 : i32
    %c0_i32_0 = arith.constant 0 : i32
    %c0_i32_1 = arith.constant 0 : i32
    return %c0_i32, %c0_i32_0 : i32, i32
  }
  func.func @transform_2(%arg0: i32) -> (i32, i32) {
    %c0_i32 = arith.constant 0 : i32
    %c0_i32_0 = arith.constant 0 : i32
    %c0_i32_1 = arith.constant 0 : i32
    return %c0_i32, %c0_i32_0 : i32, i32
  }
  func.func @transform_3(%arg0: i32) -> (i32, i32) {
    %c0_i32 = arith.constant 0 : i32
    %c0_i32_0 = arith.constant 0 : i32
    return %c0_i32, %arg0 : i32, i32
  }
}

module attributes {stable_mosaic.version = 14 : i64} {
  func.func @_h_body(%arg0: i32, %arg1: memref<128x1024xf32, #tpu.memory_space<vmem>>, %arg2: memref<128x1024xf32, #tpu.memory_space<vmem>>, %arg3: memref<128x128xf32, #tpu.memory_space<vmem>>, %arg4: memref<128x1xf32, #tpu.memory_space<vmem>>, %arg5: memref<10x1024xf32, #tpu.memory_space<vmem>>, %arg6: memref<128x1024xf32, #tpu.memory_space<vmem>>) attributes {dimension_semantics = [#tpu.dimension_semantics<arbitrary>], iteration_bounds = array<i64: 10>, scalar_prefetch = 0 : i64, scratch_operands = 0 : i64, tpu.core_type = #tpu.core_type<tc>, window_params = [{transform_indices = @transform_0, window_bounds = array<i64: 128, 1024>}, {transform_indices = @transform_1, window_bounds = array<i64: 128, 1024>}, {pipeline_mode = #tpu.pipeline_mode<synchronous>, transform_indices = @transform_2, window_bounds = array<i64: 128, 128>}, {pipeline_mode = #tpu.pipeline_mode<synchronous>, transform_indices = @transform_3, window_bounds = array<i64: 128, 1>}, {pipeline_mode = #tpu.pipeline_mode<synchronous>, transform_indices = @transform_4, window_bounds = array<i64: 10, 1024>}, {transform_indices = @transform_5, window_bounds = array<i64: 128, 1024>}]} {
    %get3A = arith.index_cast %arg0 : i32 to index
    %get3A_0 = arith.constant 0 : index
    %get3A_1 = vector.load %arg5[%get3A, %get3A_0] : memref<10x1024xf32, #tpu.memory_space<vmem>>, vector<1x1024xf32>
    %get3A_2 = arith.constant 0 : index
    %get3A_3 = arith.constant 0 : index
    %get3A_4 = vector.load %arg1[%get3A_2, %get3A_3] : memref<128x1024xf32, #tpu.memory_space<vmem>>, vector<128x1024xf32>
    %get3A_5 = arith.constant 0 : index
    %get3A_6 = arith.constant 0 : index
    %get3A_7 = vector.load %arg2[%get3A_5, %get3A_6] : memref<128x1024xf32, #tpu.memory_space<vmem>>, vector<128x1024xf32>
    %add3A = arith.addf %get3A_4, %get3A_7 : vector<128x1024xf32>
    %mul3A = vector.broadcast %get3A_1 : vector<1x1024xf32> to vector<128x1024xf32>
    %mul3A_8 = arith.mulf %mul3A, %add3A : vector<128x1024xf32>
    %get3A_9 = arith.constant 0 : index
    %get3A_10 = arith.constant 0 : index
    %get3A_11 = vector.load %arg4[%get3A_9, %get3A_10] : memref<128x1xf32, #tpu.memory_space<vmem>>, vector<128x1xf32>
    %add3A_12 = vector.broadcast %get3A_11 : vector<128x1xf32> to vector<128x1024xf32>
    %add3A_13 = arith.addf %mul3A_8, %add3A_12 : vector<128x1024xf32>
    %max3A = arith.constant 0.000000e+00 : f32
    %max3A_14 = vector.broadcast %max3A : f32 to vector<128x1024xf32>
    %max3A_15 = arith.maximumf %add3A_13, %max3A_14 : vector<128x1024xf32>
    %get3A_16 = arith.constant 0 : index
    %get3A_17 = arith.constant 0 : index
    %get3A_18 = vector.load %arg3[%get3A_16, %get3A_17] : memref<128x128xf32, #tpu.memory_space<vmem>>, vector<128x128xf32>
    %dot_general3A = arith.constant dense<0.000000e+00> : vector<128x1024xf32>
    %dot_general3A_19 = tpu.matmul %get3A_18, %max3A_15, %dot_general3A {dimension_numbers = #tpu.dot_dimension_numbers<[0], [0], [1], [1], [0, 1, 1, 1], [], []>, transpose_lhs_hint = false} : vector<128x128xf32>, vector<128x1024xf32>, vector<128x1024xf32> -> vector<128x1024xf32>
    %mul3A_20 = vector.broadcast %get3A_1 : vector<1x1024xf32> to vector<128x1024xf32>
    %mul3A_21 = arith.mulf %dot_general3A_19, %mul3A_20 : vector<128x1024xf32>
    %swap3A = arith.constant 0 : index
    %swap3A_22 = arith.constant 0 : index
    %swap3A_23 = vector.load %arg6[%swap3A, %swap3A_22] : memref<128x1024xf32, #tpu.memory_space<vmem>>, vector<128x1024xf32>
    tpu.vector_store %arg6[%swap3A, %swap3A_22], %mul3A_21 {strides = array<i32>} : memref<128x1024xf32, #tpu.memory_space<vmem>>, vector<128x1024xf32>,
    return
  }
  func.func @transform_0(%arg0: i32) -> (i32, i32) {
    %c0_i32 = arith.constant 0 : i32
    %c0_i32_0 = arith.constant 0 : i32
    return %c0_i32, %arg0 : i32, i32
  }
  func.func @transform_1(%arg0: i32) -> (i32, i32) {
    %c0_i32 = arith.constant 0 : i32
    %c0_i32_0 = arith.constant 0 : i32
    return %c0_i32, %arg0 : i32, i32
  }
  func.func @transform_2(%arg0: i32) -> (i32, i32) {
    %c0_i32 = arith.constant 0 : i32
    %c0_i32_0 = arith.constant 0 : i32
    %c0_i32_1 = arith.constant 0 : i32
    return %c0_i32, %c0_i32_0 : i32, i32
  }
  func.func @transform_3(%arg0: i32) -> (i32, i32) {
    %c0_i32 = arith.constant 0 : i32
    %c0_i32_0 = arith.constant 0 : i32
    %c0_i32_1 = arith.constant 0 : i32
    return %c0_i32, %c0_i32_0 : i32, i32
  }
  func.func @transform_4(%arg0: i32) -> (i32, i32) {
    %c0_i32 = arith.constant 0 : i32
    %c0_i32_0 = arith.constant 0 : i32
    %c0_i32_1 = arith.constant 0 : i32
    return %c0_i32, %c0_i32_0 : i32, i32
  }
  func.func @transform_5(%arg0: i32) -> (i32, i32) {
    %c0_i32 = arith.constant 0 : i32
    %c0_i32_0 = arith.constant 0 : i32
    return %c0_i32, %arg0 : i32, i32
  }
}

module attributes {stable_mosaic.version = 14 : i64} {
  func.func @_final_body(%arg0: i32, %arg1: memref<128x1024xf32, #tpu.memory_space<vmem>>, %arg2: memref<128x1024xf32, #tpu.memory_space<vmem>>, %arg3: memref<128x1xf32, #tpu.memory_space<vmem>>, %arg4: memref<10x1024xf32, #tpu.memory_space<vmem>>, %arg5: memref<1x1x1024xi32, #tpu.memory_space<vmem>>, %arg6: memref<128x10xf32, #tpu.memory_space<vmem>>, %arg7: memref<1x10xf32, #tpu.memory_space<vmem>>, %arg8: memref<64x10xf32, #tpu.memory_space<vmem>>, %arg9: memref<128x64xf32, #tpu.memory_space<vmem>>, %arg10: memref<1x64xf32, #tpu.memory_space<vmem>>) attributes {dimension_semantics = [#tpu.dimension_semantics<arbitrary>], iteration_bounds = array<i64: 10>, scalar_prefetch = 0 : i64, scratch_operands = 2 : i64, tpu.core_type = #tpu.core_type<tc>, window_params = [{transform_indices = @transform_0, window_bounds = array<i64: 128, 1024>}, {transform_indices = @transform_1, window_bounds = array<i64: 128, 1024>}, {pipeline_mode = #tpu.pipeline_mode<synchronous>, transform_indices = @transform_2, window_bounds = array<i64: 128, 1>}, {pipeline_mode = #tpu.pipeline_mode<synchronous>, transform_indices = @transform_3, window_bounds = array<i64: 10, 1024>}, {transform_indices = @transform_4, window_bounds = array<i64: 1, 1, 1024>}, {pipeline_mode = #tpu.pipeline_mode<synchronous>, transform_indices = @transform_5, window_bounds = array<i64: 128, 10>}, {pipeline_mode = #tpu.pipeline_mode<synchronous>, transform_indices = @transform_6, window_bounds = array<i64: 1, 10>}, {pipeline_mode = #tpu.pipeline_mode<synchronous>, transform_indices = @transform_7, window_bounds = array<i64: 64, 10>}]} {
    %eq3A = arith.constant 0 : i32
    %eq3A_0 = arith.cmpi eq, %arg0, %eq3A : i32
    %convert_element_type3A = arith.extui %eq3A_0 : i1 to i32
    %cond3A = arith.constant 0 : i32
    %cond3A_1 = arith.cmpi ne, %convert_element_type3A, %cond3A : i32
    scf.if %cond3A_1 {
      %broadcast_in_dim3A_50 = arith.constant 0.000000e+00 : f32
      %broadcast_in_dim3A_51 = vector.broadcast %broadcast_in_dim3A_50 : f32 to vector<128x64xf32>
      %swap3A_52 = arith.constant 0 : index
      %swap3A_53 = arith.constant 0 : index
      %swap3A_54 = vector.load %arg9[%swap3A_52, %swap3A_53] : memref<128x64xf32, #tpu.memory_space<vmem>>, vector<128x64xf32>
      tpu.vector_store %arg9[%swap3A_52, %swap3A_53], %broadcast_in_dim3A_51 {strides = array<i32>} : memref<128x64xf32, #tpu.memory_space<vmem>>, vector<128x64xf32>,
      %broadcast_in_dim3A_55 = arith.constant 0.000000e+00 : f32
      %broadcast_in_dim3A_56 = vector.broadcast %broadcast_in_dim3A_55 : f32 to vector<1x64xf32>
      %swap3A_57 = arith.constant 0 : index
      %swap3A_58 = arith.constant 0 : index
      %swap3A_59 = vector.load %arg10[%swap3A_57, %swap3A_58] : memref<1x64xf32, #tpu.memory_space<vmem>>, vector<1x64xf32>
      tpu.vector_store %arg10[%swap3A_57, %swap3A_58], %broadcast_in_dim3A_56 {strides = array<i32>} : memref<1x64xf32, #tpu.memory_space<vmem>>, vector<1x64xf32>,
    } else {
    }
    %get3A = arith.index_cast %arg0 : i32 to index
    %get3A_2 = arith.constant 0 : index
    %get3A_3 = vector.load %arg4[%get3A, %get3A_2] : memref<10x1024xf32, #tpu.memory_space<vmem>>, vector<1x1024xf32>
    %get3A_4 = arith.constant 0 : index
    %get3A_5 = arith.constant 0 : index
    %get3A_6 = vector.load %arg1[%get3A_4, %get3A_5] : memref<128x1024xf32, #tpu.memory_space<vmem>>, vector<128x1024xf32>
    %get3A_7 = arith.constant 0 : index
    %get3A_8 = arith.constant 0 : index
    %get3A_9 = vector.load %arg2[%get3A_7, %get3A_8] : memref<128x1024xf32, #tpu.memory_space<vmem>>, vector<128x1024xf32>
    %add3A = arith.addf %get3A_6, %get3A_9 : vector<128x1024xf32>
    %mul3A = vector.broadcast %get3A_3 : vector<1x1024xf32> to vector<128x1024xf32>
    %mul3A_10 = arith.mulf %mul3A, %add3A : vector<128x1024xf32>
    %get3A_11 = arith.constant 0 : index
    %get3A_12 = arith.constant 0 : index
    %get3A_13 = vector.load %arg3[%get3A_11, %get3A_12] : memref<128x1xf32, #tpu.memory_space<vmem>>, vector<128x1xf32>
    %add3A_14 = vector.broadcast %get3A_13 : vector<128x1xf32> to vector<128x1024xf32>
    %add3A_15 = arith.addf %mul3A_10, %add3A_14 : vector<128x1024xf32>
    %max3A = arith.constant 0.000000e+00 : f32
    %max3A_16 = vector.broadcast %max3A : f32 to vector<128x1024xf32>
    %max3A_17 = arith.maximumf %add3A_15, %max3A_16 : vector<128x1024xf32>
    %iota3A = tpu.iota {dimensions = array<i32: 0>} : vector<64x1xi32>
    %get3A_18 = arith.constant 0 : index
    %get3A_19 = arith.constant 0 : index
    %get3A_20 = arith.constant 0 : index
    %get3A_21 = vector.load %arg5[%get3A_18, %get3A_19, %get3A_20] : memref<1x1x1024xi32, #tpu.memory_space<vmem>>, vector<1x1x1024xi32>
    %get3A_22 = vector.shape_cast %get3A_21 : vector<1x1x1024xi32> to vector<1x1024xi32>
    %eq3A_23 = vector.broadcast %get3A_22 : vector<1x1024xi32> to vector<64x1024xi32>
    %eq3A_24 = vector.broadcast %iota3A : vector<64x1xi32> to vector<64x1024xi32>
    %eq3A_25 = arith.cmpi eq, %eq3A_23, %eq3A_24 : vector<64x1024xi32>
    %convert_element_type3A_26 = arith.extui %eq3A_25 : vector<64x1024xi1> to vector<64x1024xi32>
    %convert_element_type3A_27 = arith.sitofp %convert_element_type3A_26 : vector<64x1024xi32> to vector<64x1024xf32>
    %get3A_28 = arith.constant 0 : index
    %get3A_29 = arith.constant 0 : index
    %get3A_30 = vector.load %arg9[%get3A_28, %get3A_29] : memref<128x64xf32, #tpu.memory_space<vmem>>, vector<128x64xf32>
    %dot_general3A = arith.constant dense<0.000000e+00> : vector<128x64xf32>
    %dot_general3A_31 = tpu.matmul %max3A_17, %convert_element_type3A_27, %dot_general3A {dimension_numbers = #tpu.dot_dimension_numbers<[1], [1], [0], [0], [0, 0, 1, 0], [], []>, transpose_lhs_hint = false} : vector<128x1024xf32>, vector<64x1024xf32>, vector<128x64xf32> -> vector<128x64xf32>
    %add3A_32 = arith.addf %get3A_30, %dot_general3A_31 : vector<128x64xf32>
    %swap3A = arith.constant 0 : index
    %swap3A_33 = arith.constant 0 : index
    %swap3A_34 = vector.load %arg9[%swap3A, %swap3A_33] : memref<128x64xf32, #tpu.memory_space<vmem>>, vector<128x64xf32>
    tpu.vector_store %arg9[%swap3A, %swap3A_33], %add3A_32 {strides = array<i32>} : memref<128x64xf32, #tpu.memory_space<vmem>>, vector<128x64xf32>,
    %broadcast_in_dim3A = arith.constant 1.000000e+00 : f32
    %broadcast_in_dim3A_35 = vector.broadcast %broadcast_in_dim3A : f32 to vector<1x1024xf32>
    %get3A_36 = arith.constant 0 : index
    %get3A_37 = arith.constant 0 : index
    %get3A_38 = vector.load %arg10[%get3A_36, %get3A_37] : memref<1x64xf32, #tpu.memory_space<vmem>>, vector<1x64xf32>
    %dot_general3A_39 = arith.constant dense<0.000000e+00> : vector<1x64xf32>
    %dot_general3A_40 = tpu.matmul %broadcast_in_dim3A_35, %convert_element_type3A_27, %dot_general3A_39 {dimension_numbers = #tpu.dot_dimension_numbers<[1], [1], [0], [0], [0, 0, 1, 0], [], []>, transpose_lhs_hint = false} : vector<1x1024xf32>, vector<64x1024xf32>, vector<1x64xf32> -> vector<1x64xf32>
    %add3A_41 = arith.addf %get3A_38, %dot_general3A_40 : vector<1x64xf32>
    %swap3A_42 = arith.constant 0 : index
    %swap3A_43 = arith.constant 0 : index
    %swap3A_44 = vector.load %arg10[%swap3A_42, %swap3A_43] : memref<1x64xf32, #tpu.memory_space<vmem>>, vector<1x64xf32>
    tpu.vector_store %arg10[%swap3A_42, %swap3A_43], %add3A_41 {strides = array<i32>} : memref<1x64xf32, #tpu.memory_space<vmem>>, vector<1x64xf32>,
    %eq3A_45 = arith.constant 9 : i32
    %eq3A_46 = arith.cmpi eq, %arg0, %eq3A_45 : i32
    %convert_element_type3A_47 = arith.extui %eq3A_46 : i1 to i32
    %cond3A_48 = arith.constant 0 : i32
    %cond3A_49 = arith.cmpi ne, %convert_element_type3A_47, %cond3A_48 : i32
    scf.if %cond3A_49 {
      %get3A_50 = arith.constant 0 : index
      %get3A_51 = arith.constant 0 : index
      %get3A_52 = vector.load %arg9[%get3A_50, %get3A_51] : memref<128x64xf32, #tpu.memory_space<vmem>>, vector<128x64xf32>
      %get3A_53 = arith.constant 0 : index
      %get3A_54 = arith.constant 0 : index
      %get3A_55 = vector.load %arg10[%get3A_53, %get3A_54] : memref<1x64xf32, #tpu.memory_space<vmem>>, vector<1x64xf32>
      %max3A_56 = arith.constant 1.000000e+00 : f32
      %max3A_57 = vector.broadcast %max3A_56 : f32 to vector<1x64xf32>
      %max3A_58 = arith.maximumf %get3A_55, %max3A_57 : vector<1x64xf32>
      %div3A = vector.broadcast %max3A_58 : vector<1x64xf32> to vector<128x64xf32>
      %div3A_59 = arith.divf %get3A_52, %div3A : vector<128x64xf32>
      %get3A_60 = arith.constant 0 : index
      %get3A_61 = arith.constant 0 : index
      %get3A_62 = vector.load %arg6[%get3A_60, %get3A_61] : memref<128x10xf32, #tpu.memory_space<vmem>>, vector<128x10xf32>
      %dot_general3A_63 = arith.constant dense<0.000000e+00> : vector<64x10xf32>
      %dot_general3A_64 = tpu.matmul %div3A_59, %get3A_62, %dot_general3A_63 {dimension_numbers = #tpu.dot_dimension_numbers<[0], [0], [1], [1], [0, 1, 1, 1], [], []>, transpose_lhs_hint = false} : vector<128x64xf32>, vector<128x10xf32>, vector<64x10xf32> -> vector<64x10xf32>
      %get3A_65 = arith.constant 0 : index
      %get3A_66 = arith.constant 0 : index
      %get3A_67 = vector.load %arg7[%get3A_65, %get3A_66] : memref<1x10xf32, #tpu.memory_space<vmem>>, vector<1x10xf32>
      %add3A_68 = vector.broadcast %get3A_67 : vector<1x10xf32> to vector<64x10xf32>
      %add3A_69 = arith.addf %dot_general3A_64, %add3A_68 : vector<64x10xf32>
      %swap3A_70 = arith.constant 0 : index
      %swap3A_71 = arith.constant 0 : index
      %swap3A_72 = vector.load %arg8[%swap3A_70, %swap3A_71] : memref<64x10xf32, #tpu.memory_space<vmem>>, vector<64x10xf32>
      tpu.vector_store %arg8[%swap3A_70, %swap3A_71], %add3A_69 {strides = array<i32>} : memref<64x10xf32, #tpu.memory_space<vmem>>, vector<64x10xf32>,
    } else {
    }
    return
  }
  func.func @transform_0(%arg0: i32) -> (i32, i32) {
    %c0_i32 = arith.constant 0 : i32
    %c0_i32_0 = arith.constant 0 : i32
    return %c0_i32, %arg0 : i32, i32
  }
  func.func @transform_1(%arg0: i32) -> (i32, i32) {
    %c0_i32 = arith.constant 0 : i32
    %c0_i32_0 = arith.constant 0 : i32
    return %c0_i32, %arg0 : i32, i32
  }
  func.func @transform_2(%arg0: i32) -> (i32, i32) {
    %c0_i32 = arith.constant 0 : i32
    %c0_i32_0 = arith.constant 0 : i32
    %c0_i32_1 = arith.constant 0 : i32
    return %c0_i32, %c0_i32_0 : i32, i32
  }
  func.func @transform_3(%arg0: i32) -> (i32, i32) {
    %c0_i32 = arith.constant 0 : i32
    %c0_i32_0 = arith.constant 0 : i32
    %c0_i32_1 = arith.constant 0 : i32
    return %c0_i32, %c0_i32_0 : i32, i32
  }
  func.func @transform_4(%arg0: i32) -> (i32, i32, i32) {
    %c0_i32 = arith.constant 0 : i32
    %c0_i32_0 = arith.constant 0 : i32
    %c0_i32_1 = arith.constant 0 : i32
    return %arg0, %c0_i32, %c0_i32_0 : i32, i32, i32
  }
  func.func @transform_5(%arg0: i32) -> (i32, i32) {
    %c0_i32 = arith.constant 0 : i32
    %c0_i32_0 = arith.constant 0 : i32
    %c0_i32_1 = arith.constant 0 : i32
    return %c0_i32, %c0_i32_0 : i32, i32
  }
  func.func @transform_6(%arg0: i32) -> (i32, i32) {
    %c0_i32 = arith.constant 0 : i32
    %c0_i32_0 = arith.constant 0 : i32
    %c0_i32_1 = arith.constant 0 : i32
    return %c0_i32, %c0_i32_0 : i32, i32
  }
  func.func @transform_7(%arg0: i32) -> (i32, i32) {
    %c0_i32 = arith.constant 0 : i32
    %c0_i32_0 = arith.constant 0 : i32
    %c0_i32_1 = arith.constant 0 : i32
    return %c0_i32, %c0_i32_0 : i32, i32
  }
}

</mosaic_0001>

<sc_bundles>
// kernel: kernel.12.cloned.1.call-start
scs
__scs_entry_jumppad:
0x0: {  	(pc) =	sbr.rel $0x88, $3  }
0x1: {  	(tag) =	ssettag $0x0;
	lr =	simm.s32 $0x1  }
0x2: {  	[smem:$0x3F98] =	sst lr;
	_ =	strace $0xD0000000  }
0x3: {  	_ = 	snop  }
0x4: {  	_ = 	snop  }
0x5: {  	_ = 	snop  }
0x6: {  	_ = 	snop  }
0x7: {  	_ = 	snop  }
__scs_overlays_trampoline_lowered:
0x8: {  	[smem:$0x3FA7] =	sst s0  }
0x9: {  	[smem:$0x3FA8] =	sst s1  }
0xa: {  	[smem:$0x3FA9] =	sst s2  }
0xb: {  	[smem:$0x3FAA] =	sst s3  }
0xc: {  	[smem:$0x3FAB] =	sst s4  }
0xd: {  	[smem:$0x3FAC] =	sst s5  }
0xe: {  	[smem:$0x3FAD] =	sst s6  }
0xf: {  	[smem:$0x3FAE] =	sst s7  }
0x10: {  	[smem:$0x3FAF] =	sst s8  }
0x11: {  	[smem:$0x3FB0] =	sst s9;
	s0 =	simm.s32 @!p0 $0x0  }
0x12: {  	s1 =	sld [smem:$0x3F96];
	s0 =	simm.s32 @p0 $0x1  }
0x13: {  	[smem:$0x3FB1] =	sst s0;
	s0 =	simm.s32 @!p1 $0x0  }
0x14: {  	s2 =	sld [smem:$0x3F95];
	s0 =	simm.s32 @p1 $0x1  }
0x15: {  	[smem:$0x3FB2] =	sst s0;
	s0 =	simm.s32 @!p2 $0x0  }
0x16: {  	s3 =	sld [smem:$0x3FDB];
	s0 =	simm.s32 @p2 $0x1  }
0x17: {  	s4 =	simm.s32 $0x1BF5;
	[smem:$0x3FB4] =	sst s0  }
0x18: {  	s0 =	sld [smem:$0x3F97];
	_ =	swait.ge [sflag:s4], $0x0  }
0x19: {  	s7 =	sld [smem:$0x3F98]  }
0x1a: {  	s8 =	sadd.s32 $0xFFFFE003, lr  }
0x1b: {  	s9 =	sadd.s32 $0xFFFFFEF7, lr;
	s5 =	simm.s32 $0xFFFFFFFF;
	p2 =	slt.u32 s8, $0xFFFFF086  }
0x1c: {  	p1 =	slt.u32 s9, $0xF7A;
	s5 =	simm.s32 @!p2 $0x0  }
0x1d: {  	s5 =	simm.s32 @p1 $0x1;
	p0 =	seq.s32 s7, s2  }
0x1e: {  	s7 =	smul.u32 @!p0 $0xF7A, s2;
	p2 =	seq.s32 @!p0 s5, $0x0  }
0x1f: {  	s9 =	smul.u32 $0xF7A, s1;
	s8 =	simm.s32 @!p0 $0x1BF5;
	p2 =	por !p2, p0  }
0x20: {  	[sflag:s8] =	ssyncset.s32 @!p0 $0xFFFFF086;
	s6 =	sadd.s32 @!p0 s3, s7;
	s7 =	simm.s32 @!p0 $0x108  }
0x21: {  	s3 =	sadd.s32 s3, s9;
	s6 =	sadd.s32 @!p0 $0x88, s6;
	s7 =	simm.s32 @p2 $0x1082  }
0x22: {  	[simem:s7], [sflag:s8] =	dma.local @!p0 [hbm:s6], $0xF7A  }
0x23: {  	s9 =	sor.u32 $0xD0000000, s2;
	s6 =	simm.s32 $0x108;
	_ =	swait.ge @!p0 [sflag:s8], $0x0  }
0x24: {  	s3 =	sadd.s32 $0x88, s3;
	s6 =	simm.s32 @!p1 $0x1082;
	[sflag:s4] =	ssyncset.s32 $0xFFFFF086  }
0x25: {  	[simem:s6], [sflag:s4] =	dma.local [hbm:s3], $0xF7A  }
0x26: {  	[smem:$0x3F98] =	sst s1;
	(tag) =	ssettag s2;
	_ =	strace s9  }
0x27: {  	s1 =	sld [smem:$0x3FA8]  }
0x28: {  	s2 =	sld [smem:$0x3FA9]  }
0x29: {  	s4 =	sld [smem:$0x3FAB]  }
0x2a: {  	p0 =	seq.s32 s5, $0x0;
	s5 =	sld [smem:$0x3FAC]  }
0x2b: {  	s6 =	sld [smem:$0x3FAD]  }
0x2c: {  	s7 =	sld [smem:$0x3FAE]  }
0x2d: {  	s3 =	simm.s32 $0x108;
	s8 =	sld [smem:$0x3FAF]  }
0x2e: {  	s3 =	simm.s32 @!p0 $0x1082;
	s9 =	sld [smem:$0x3FB0]  }
0x2f: {  	lr =	sadd.s32 s0, s3;
	s0 =	sld [smem:$0x3FA7]  }
0x30: {  	s3 =	sld [smem:$0x3FAA]  }
0x31: {  	[smem:$0x3FB3] =	sst s10  }
0x32: {  	s10 =	sld [smem:$0x3FB1];
	_ =	sdelay $0x3  }
0x33: {  	p0 =	seq.s32 s10, $0x1;
	s10 =	sld [smem:$0x3FB3];
	_ =	sdelay $0x3  }
0x34: {  	[smem:$0x3FB3] =	sst s10  }
0x35: {  	s10 =	sld [smem:$0x3FB2];
	_ =	sdelay $0x3  }
0x36: {  	p1 =	seq.s32 s10, $0x1;
	s10 =	sld [smem:$0x3FB3];
	_ =	sdelay $0x3  }
0x37: {  	[smem:$0x3FB3] =	sst s10  }
0x38: {  	s10 =	sld [smem:$0x3FB4]  }
0x39: {  	_ = 	snop;
	(pc) =	sbr.ind lr, $3  }
0x3a: {  	_ = 	snop  }
0x3b: {  	_ = 	snop  }
0x3c: {  	p2 =	seq.s32 s10, $0x1;
	s10 =	sld [smem:$0x3FB3]  }
0x3d: {  	_ =	shalt  }
0x3e: {  	_ =	shalt  }
0x3f: {  	_ =	shalt  }
0x40: {  	_ =	shalt  }
0x41: {  	_ =	shalt  }
0x42: {  	_ =	shalt  }
0x43: {  	_ =	shalt  }
0x44: {  	_ =	shalt  }
0x45: {  	_ =	shalt  }
0x46: {  	_ =	shalt  }
0x47: {  	_ =	shalt  }
0x48: {  	_ =	shalt  }
0x49: {  	_ =	shalt  }
0x4a: {  	_ =	shalt  }
0x4b: {  	_ =	shalt  }
0x4c: {  	_ =	shalt  }
0x4d: {  	_ =	shalt  }
0x4e: {  	_ =	shalt  }
0x4f: {  	_ =	shalt  }
0x50: {  	_ =	shalt  }
0x51: {  	_ =	shalt  }
0x52: {  	_ =	shalt  }
0x53: {  	_ =	shalt  }
0x54: {  	_ =	shalt  }
0x55: {  	_ =	shalt  }
0x56: {  	_ =	shalt  }
0x57: {  	_ =	shalt  }
0x58: {  	_ =	shalt  }
0x59: {  	_ =	shalt  }
0x5a: {  	_ =	shalt  }
0x5b: {  	_ =	shalt  }
0x5c: {  	_ =	shalt  }
0x5d: {  	_ =	shalt  }
0x5e: {  	_ =	shalt  }
0x5f: {  	_ =	shalt  }
0x60: {  	_ =	shalt  }
0x61: {  	_ =	shalt  }
0x62: {  	_ =	shalt  }
0x63: {  	_ =	shalt  }
0x64: {  	_ =	shalt  }
0x65: {  	_ =	shalt  }
0x66: {  	_ =	shalt  }
0x67: {  	_ =	shalt  }
0x68: {  	_ =	shalt  }
0x69: {  	_ =	shalt  }
0x6a: {  	_ =	shalt  }
0x6b: {  	_ =	shalt  }
0x6c: {  	_ =	shalt  }
0x6d: {  	_ =	shalt  }
0x6e: {  	_ =	shalt  }
0x6f: {  	_ =	shalt  }
0x70: {  	_ =	shalt  }
0x71: {  	_ =	shalt  }
0x72: {  	_ =	shalt  }
0x73: {  	_ =	shalt  }
0x74: {  	_ =	shalt  }
0x75: {  	_ =	shalt  }
0x76: {  	_ =	shalt  }
0x77: {  	_ =	shalt  }
0x78: {  	_ =	shalt  }
0x79: {  	_ =	shalt  }
0x7a: {  	_ =	shalt  }
0x7b: {  	_ =	shalt  }
0x7c: {  	_ =	shalt  }
0x7d: {  	_ =	shalt  }
0x7e: {  	_ =	shalt  }
0x7f: {  	_ =	shalt  }
0x80: {  	_ =	shalt  }
0x81: {  	_ =	shalt  }
0x82: {  	_ =	shalt  }
0x83: {  	_ =	shalt  }
0x84: {  	_ =	shalt  }
0x85: {  	_ =	shalt  }
0x86: {  	_ =	shalt  }
0x87: {  	_ =	shalt  }
.Lfunc_end0:
.L_simem_size_0:
called_computation.1_lowered:
.L_overlay_start_0:
0x88: {  	s2 =	sld [smem:$0x3FD9]  }
0x89: {  	s3 =	sld [smem:$0x3FFE];
	_ =	sdelay $0x1  }
0x8a: {  	s1 =	srdreg.scid  }
0x8b: {  	s0 =	sand.u32 $0x1, s1  }
0x8c: {  	s16 =	sshll.u32 s0, $0xA;
	s2 =	sadd.s32 s3, s2  }
0x8d: {  	s2 =	sadd.s32 s2, s16  }
0x8e: {  	[smem:$0x3FBF] =	sst s2  }
0x8f: {  	_ = 	snop  }
0x90: {  	(tm) =	ssettm $0x1  }
0x91: {  	s17 =	sld [smem:$0x3FFB];
	_ =	sdelay $0x3  }
0x92: {  	_ =	strace s17  }
0x93: {  	s2 =	sld [smem:$0x3FFC];
	_ =	sdelay $0x3  }
0x94: {  	_ =	strace s2  }
0x95: {  	s2 =	sld [smem:$0x3FFD];
	_ =	sdelay $0x3  }
0x96: {  	_ =	strace s2  }
0x97: {  	_ =	strace $0x8FFFFFFF  }
0x98: {  	s18 =	sld [smem:$0x3FDB];
	_ =	sdelay $0x1  }
0x99: {  	s19 =	simm.s32 $_scs_section_size  }
0x9a: {  	s4 =	simm.s32 $_size__tile_overlayer_lowered;
	s5 =	simm.s32 $_tile_overlayer_lowered  }
0x9b: {  	s22 =	simm.s32 $0x1BFF;
	s21 =	sshll.u32 s5, $0x1;
	s2 =	sadd.s32 s19, s18  }
0x9c: {  	s6 =	simm.s32 $0x0;
	s20 =	sshll.u32 s4, $0x1;
	s4 =	sadd.s32 s21, s2  }
0x9d: {  	[timem:s6], [sflag:s22] =	dma.local [hbm:s4], s20  }
0x9e: {  	_ =	swait.ge [sflag:s22], s20  }
0x9f: {  	s3 =	ssub.s32 $0x0, s20;
	[sflag:s22] =	ssyncset.done $0x0  }
0xa0: {  	[sflag:s22] =	ssyncadd.s32 s3;
	_ =	sdelay $0x1  }
0xa1: {  	s23 =	simm.s32 $0x1B8B  }
0xa2: {  	_ =	swait.ge [sflag:s23], $0x1  }
0xa3: {  	[sflag:s23] =	ssyncset.done $0x0  }
0xa4: {  	s25 =	simm.s32 $0x1B8E;
	s24 =	sld [smem:$0x3FFE];
	[sflag:s23] =	ssyncadd.s32 $0xFFFFFFFF  }
0xa5: {  	s26 =	simm.s32 $execute0_lowered;
	[smem:$0x3FD2] =	sst s25  }
0xa6: {  	s4 =	sshll.u32 s26, $0x1;
	_ =	strace $0x80000049;
	[dreg:$0x1] =	wrdreg $0xFFFFFFFF  }
0xa7: {  	s28 =	simm.s32 $_size_execute0_lowered;
	s2 =	sadd.s32 s2, s4;
	[dreg:$0x0] =	wrdreg $0x0  }
0xa8: {  	s4 =	sshll.u32 s28, $0x1;
	[dreg:$0x2] =	wrdreg s2  }
0xa9: {  	[dreg:$0x3] =	wrdreg s4  }
0xaa: {  	[dreg:$0x4] =	wrdreg $0xC0  }
0xab: {  	_ =	task [dreg:s6], $0x5FFFF  }
0xac: {  	[dreg:$0x1] =	wrdreg $0xFFFFFFFF  }
0xad: {  	[dreg:$0x0] =	wrdreg $0x60  }
0xae: {  	[dreg:$0x2] =	wrdreg s24  }
0xaf: {  	[dreg:$0x3] =	wrdreg $0x9  }
0xb0: {  	_ =	task.clear_ibuf [dreg:s6], $0x4FFFF;
	_ =	strace $0x90000049  }
0xb1: {  	s29 =	simm.s32 $0x9;
	_ =	strace $0x8000004B  }
0xb2: {  	_ =	swait.ge [sflag:s29], $0x1  }
0xb3: {  	[sflag:s29] =	ssyncadd.s32 $0xFFFFFFFF  }
0xb4: {  	_ =	strace $0x9000004B  }
0xb5: {  	_ =	sfence  }
0xb6: {  	s30 =	sld [smem:$0x0];
	_ =	sdelay $0x2  }
0xb7: {  	s31 =	sshll.u32 s1, $0xD;
	s1 =	sshrl.u32 s1, $0x2  }
0xb8: {  	s3 =	sand.u32 $0x4000, s31;
	s1 =	sadd.s32 s1, s30  }
0xb9: {  	s0 =	sor.u32 s3, s0;
	s1 =	sshll.u32 s1, $0x11  }
0xba: {  	s0 =	sor.u32 s1, s0  }
0xbb: {  	s0 =	sadd.s32 $0x8F2B, s0  }
0xbc: {  	[sflag:s0] =	ssyncadd.remote.s32 $0x1  }
0xbd: {  	_ =	sfence.sel $0xFFFF  }
0xbe: {  	[dreg:$0x0] =	wrdreg $0xFFFFFFFF;
	(pc) =	sbr.abs _section_cstart, $3  }
0xbf: {  	[dreg:$0x1] =	wrdreg $0xFFFFFFFF  }
0xc0: {  	_ =	task.clear_ibuf [dreg:s6], $0x2FFFF;
	_ =	strace $0x9FFFFFFF  }
0xc1: {  	(tm) =	ssettm $0x7FFFFFFF  }
tec
execute0_lowered:
.L_overlay_start_1:
0x0: {  	(tag) =	ssettag $0x1  }
0x1: {  	s1 =	srdreg.scid;
	s0 =	stileid.u32  }
0x2: {  	s5 =	rddreg [dreg:$0x0];
	s2 =	simm.s32 $0x0;
	s8 =	simm.s32 $0x1000  }
0x3: {  	s9 =	simm.s32 $0x1;
	s10 =	simm.s32 $0x800;
	s11 =	simm.s32 $0xB000  }
0x4: {  	s12 =	simm.s32 $0x0;
	s4 =	sand.u32 $0x1, s1;
	s3 =	sshll.u32 s0, $0x1  }
.Ltmp0:
0x5: {  	s1 =	rddreg [dreg:$0x1];
	s3 =	sor.u32 s4, s3;
	(pc) =	sbr.rel .LBB2_1-.Ltmp0, $4  }
0x6: {  	[smem:$0x7FF] =	sst s2;
	s7 =	ssub.s32 $0x2, s4;
	s6 =	smul.u32 $0x1400, s3  }
0x7: {  	_ =	strace $0x8000004A;
	s4 =	sadd.s32 $0xBA00, s5;
	s31 =	sshrl.u32 s7, $0x1  }
0x8: {  	s3 =	sadd.s32 $0x1C00, s5;
	s7 =	ssub.s32 s7, s31;
	s6 =	sadd.s32 s6, s5  }
0x9: {  	v0 =	vimm.f32 $0.0e+00;
	v1 =	vimm.f32 $1.000000000e+00;
	s7 =	smax.u32 s7, $0x1;
	s5 =	sadd.s32 $0x15800, s6;
	s6 =	sadd.s32 $0x3D800, s6  }
.LBB2_16:
0xa: {  	s12 =	sadd.s32 $0x1, s12  }
0xb: {  	p0 =	sne.s32 s12, s7  }
.Ltmp1:
0xc: {  	_ = 	snop;
	(pc) =	sbr.rel @!p0 .LBB2_17-.Ltmp1, $4  }
0xd: {  	[hbm4b:s6+s2] =	stream.linear.scatter [tilespmem:s11], [sflag:$0x1], $0xA000, $0x38;
	[tilespmem:$0x15000] =	vst v63  }
0xe: {  	_ =	swait.ge [sflag:s9], $0xA000  }
0xf: {  	[sflag:s9] =	ssyncset.done $0x0  }
0x10: {  	[sflag:s9] =	ssyncadd.s32 $0xFFFF6000  }
.LBB2_1:
0x11: {  	s14 =	smul.u32 $0xCCCD, s2;
	_ =	sdelay $0x1  }
0x12: {  	s13 =	sshrl.u32 s14, $0x19  }
0x13: {  	s15 =	smul.u32 $0x280, s13  }
0x14: {  	s17 =	sshrl.u32 s14, $0x1B;
	s31 =	sshrl.u32 s14, $0x12  }
0x15: {  	s13 =	simm.s32 $0x1;
	s19 =	smul.u32 $0x28000, s17;
	s16 =	ssub.s32 $0x0, s15  }
0x16: {  	s17 =	sand.u32 $0x180, s31;
	s14 =	smul.u32 $0xCCCD, s13;
	s18 =	sshll.u32 s16, $0x6  }
0x17: {  	s15 =	simm.s32 $0x2;
	s19 =	sshrl.u32 s19, $0x2;
	s18 =	sand.u32 $0xFE00, s18  }
.LBB2_2:
0x18: {  	p0 =	sne.s32 s15, $0x9FF  }
0x19: {  	s16 =	sshll.u32 s16, $0x4;
	s18 =	sadd.s32 s18, s19;
	s19 =	sshrl.u32 s14, $0x19  }
0x1a: {  	s16 =	sand.u32 $0x70, s16;
	s17 =	sor.u32 s17, s18;
	s18 =	smul.u32 $0x280, s19  }
.Ltmp2:
0x1b: {  	s16 =	sor.u32 s16, s17;
	(pc) =	sbr.rel @p0 .LBB2_2-.Ltmp2, $4  }
0x1c: {  	s17 =	sshrl.u32 s14, $0x1B;
	[tilespmem:s16+$0xB000] =	vst v0;
	s16 =	smov.u32 s13;
	s13 =	smov.u32 s15  }
0x1d: {  	s19 =	smul.u32 $0x28000, s17;
	s16 =	ssub.s32 s16, s18;
	s18 =	sshrl.u32 s14, $0x12  }
0x1e: {  	s14 =	smul.u32 $0xCCCD, s15;
	s20 =	sshll.u32 s16, $0x6;
	s17 =	sand.u32 $0x180, s18  }
0x1f: {  	s15 =	sadd.s32 $0x1, s15;
	s19 =	sshrl.u32 s19, $0x2;
	s18 =	sand.u32 $0xFE00, s20  }
0x20: {  	s15 =	sshrl.u32 s14, $0x19  }
0x21: {  	s15 =	smul.u32 $0x280, s15  }
0x22: {  	s18 =	sadd.s32 s18, s19;
	s26 =	sshrl.u32 s14, $0x1B  }
0x23: {  	s28 =	sshll.u32 s16, $0x4;
	s29 =	smul.u32 $0x28000, s26;
	s13 =	ssub.s32 s13, s15  }
0x24: {  	s31 =	sshrl.u32 s14, $0x12;
	s17 =	sor.u32 s17, s18;
	s30 =	sshll.u32 s13, $0x6  }
0x25: {  	s14 =	sand.u32 $0x180, s31;
	s16 =	sshrl.u32 s29, $0x2;
	s18 =	sand.u32 $0xFE00, s30  }
0x26: {  	s15 =	sand.u32 $0x70, s28;
	s13 =	sshll.u32 s13, $0x4;
	s16 =	sadd.s32 s18, s16  }
0x27: {  	s15 =	sor.u32 s15, s17;
	s13 =	sand.u32 $0x70, s13;
	s14 =	sor.u32 s14, s16  }
0x28: {  	[tilespmem:s15+$0xB000] =	vst v0;
	s13 =	sor.u32 s13, s14  }
.Ltmp3:
0x29: {  	[tilespmem:s13+$0xB000] =	vst v0;
	s13 =	simm.s32 $0x0;
	(pc) =	sbr.rel .LBB2_4-.Ltmp3, $4  }
0x2a: {  	[tilespmem:s8], [sflag:$0x1] =	stream.linear.gather [hbm4b:s5+s13], $0xA000, $0x38;
	[tilespmem:$0x15000] =	vst v63  }
0x2b: {  	_ =	swait.ge [sflag:s9], $0xA000  }
0x2c: {  	[sflag:s9] =	ssyncset.done $0x0  }
0x2d: {  	s14 =	simm.s32 $0x0;
	[sflag:s9] =	ssyncadd.s32 $0xFFFF6000  }
.LBB2_15:
0x2e: {  	s14 =	sadd.s32 $0x1, s14  }
0x2f: {  	p0 =	sne.s32 s14, $0xA0  }
.Ltmp4:
0x30: {  	_ = 	snop;
	(pc) =	sbr.rel @!p0 .LBB2_16-.Ltmp4, $1  }
0x31: {  	_ =	sdelay $0x3  }
.LBB2_4:
0x32: {  	s15 =	smul.u32 $0xFA, s14;
	_ =	sdelay $0x1  }
0x33: {  	s16 =	sadd.s32 s3, s15  }
0x34: {  	[tilespmem:s13], [sflag:$0x1] =	stream.linear.gather [hbm4b:s16+s13], $0x7D0, $0x38;
	[tilespmem:$0x15000] =	vst v63  }
0x35: {  	_ =	swait.ge [sflag:s9], $0x7D0  }
0x36: {  	[sflag:s9] =	ssyncset.done $0x0  }
.Ltmp5:
0x37: {  	s15 =	sadd.s32 s4, s15;
	[sflag:s9] =	ssyncadd.s32 $0xFFFFF830;
	(pc) =	sbr.rel .LBB2_5-.Ltmp5, $4  }
0x38: {  	[tilespmem:s10], [sflag:$0x1] =	stream.linear.gather [hbm4b:s15+s13], $0x7D0, $0x38;
	[tilespmem:$0x15000] =	vst v63  }
0x39: {  	_ =	swait.ge [sflag:s9], $0x7D0  }
0x3a: {  	[sflag:s9] =	ssyncset.done $0x0  }
0x3b: {  	s15 =	simm.s32 $0x0;
	[sflag:s9] =	ssyncadd.s32 $0xFFFFF830  }
.LBB2_11:
0x3c: {  	p0 =	slt.u32 s15, $0x7A  }
.Ltmp6:
0x3d: {  	_ = 	snop;
	(pc) =	sbr.rel @!p0 .LBB2_12-.Ltmp6, $3  }
0x3e: {  	_ =	sdelay $0x1  }
0x3f: {  	s16 =	sadd.s32 $0x2, s15  }
0x40: {  	s15 =	smov.u32 s16  }
.LBB2_5:
0x41: {  	s16 =	sshll.u32 s15, $0x4  }
0x42: {  	v2 =	vld [tilespmem:s16+$0x800];
	_ =	sdelay $0x4  }
0x43: {  	(xrf1) =	vunique.msk.u32 $0xffff, v2;
	_ =	sdelay $0xd  }
0x44: {  	_, v3, vm0 =	vpop (xrf1)  }
0x45: {  	v3 =	vsel vm0, $0x0, v1  }
0x46: {  	(xrf0) =	vmax.scan.msk.f32 $0xffff, v3;
	_ =	sdelay $0x5  }
0x47: {  	v4, _, _ =	vpop (xrf0)  }
0x48: {  	(v2sf) =	vpush v4, $0xF  }
0x49: {  	v3 =	vld [tilespmem:s16+$0x0];
	_ =	sdelay $0x4  }
0x4a: {  	v4 =	vshll.u32 v3, $0x2  }
0x4b: {  	v3 =	vand.u32 $0x7F, v3;
	v4 =	vand.u32 $0xFFFFFE00, v4  }
0x4c: {  	v3 =	vor.u32 v3, v4  }
0x4d: {  	v5 =	vor.u32 $0x80, v3  }
0x4e: {  	v7 =	vor.u32 $0x100, v3  }
0x4f: {  	v4 =	vshll.u32 v2, $0x2;
	v9 =	vor.u32 $0x180, v3  }
0x50: {  	v6 =	vand.u32 $0x7F, v2;
	v4 =	vand.u32 $0xFFFFFE00, v4  }
0x51: {  	v4 =	vor.u32 v6, v4;
	v3 =	vld.idx.msk [tilespmem:v3+s8+$0x0], $0xffff  }
0x52: {  	v6 =	vor.u32 $0x80, v4;
	v5 =	vld.idx.msk [tilespmem:v5+s8+$0x0], $0xffff  }
0x53: {  	v8 =	vor.u32 $0x100, v4;
	v7 =	vld.idx.msk [tilespmem:v7+s8+$0x0], $0xffff;
	s17 =	spop (v2sf)  }
0x54: {  	v10 =	vor.u32 $0x180, v4;
	v9 =	vld.idx.msk [tilespmem:v9+s8+$0x0], $0xffff;
	p0 =	sgt.f32 s17, $0.0e+00  }
.Ltmp7:
0x55: {  	_ = 	snop;
	(pc) =	sbr.rel @!p0 .LBB2_8-.Ltmp7, $4  }
0x56: {  	[tilespmem:v4+s11+$0x0] =	vst.idx.add.f32.msk vm0, v3  }
0x57: {  	[tilespmem:v6+s11+$0x0] =	vst.idx.add.f32.msk vm0, v5  }
0x58: {  	[tilespmem:v8+s11+$0x0] =	vst.idx.add.f32.msk vm0, v7  }
0x59: {  	[tilespmem:v10+s11+$0x0] =	vst.idx.add.f32.msk vm0, v9  }
0x5a: {  	vm0 =	vmneg vm0  }
.LBB2_7:
0x5b: {  	(xrf1) =	vunique.msk.u32 vm0, v2;
	_ =	sdelay $0xd  }
0x5c: {  	_, v11, vm1 =	vpop (xrf1)  }
0x5d: {  	vm2 =	vmneg vm1  }
0x5e: {  	vm0 =	vmand vm0, vm2  }
0x5f: {  	v11 =	vsel vm0, $0x3F800000, v0  }
0x60: {  	(xrf0) =	vmax.scan.msk.f32 $0xffff, v11;
	_ =	sdelay $0x5  }
0x61: {  	v11, _, _ =	vpop (xrf0)  }
0x62: {  	(v2sf) =	vpush v11, $0xF;
	_ =	sdelay $0xe  }
0x63: {  	s17 =	spop (v2sf)  }
0x64: {  	p0 =	sgt.f32 s17, $0.0e+00  }
.Ltmp8:
0x65: {  	_ = 	snop;
	(pc) =	sbr.rel @p0 .LBB2_7-.Ltmp8, $4  }
0x66: {  	[tilespmem:v4+s11+$0x0] =	vst.idx.add.f32.msk vm1, v3  }
0x67: {  	[tilespmem:v6+s11+$0x0] =	vst.idx.add.f32.msk vm1, v5  }
0x68: {  	[tilespmem:v8+s11+$0x0] =	vst.idx.add.f32.msk vm1, v7  }
0x69: {  	[tilespmem:v10+s11+$0x0] =	vst.idx.add.f32.msk vm1, v9  }
.LBB2_8:
0x6a: {  	v2 =	vld [tilespmem:s16+$0x810];
	_ =	sdelay $0x4  }
0x6b: {  	(xrf1) =	vunique.msk.u32 $0xffff, v2;
	_ =	sdelay $0xd  }
0x6c: {  	_, v3, vm0 =	vpop (xrf1)  }
0x6d: {  	v3 =	vsel vm0, $0x0, v1  }
0x6e: {  	(xrf0) =	vmax.scan.msk.f32 $0xffff, v3;
	_ =	sdelay $0x5  }
0x6f: {  	v4, _, _ =	vpop (xrf0)  }
0x70: {  	s30 =	sor.u32 $0x10, s16;
	(v2sf) =	vpush v4, $0xF  }
0x71: {  	v3 =	vld [tilespmem:s30+$0x0];
	_ =	sdelay $0x4  }
0x72: {  	v4 =	vshll.u32 v3, $0x2  }
0x73: {  	v3 =	vand.u32 $0x7F, v3;
	v4 =	vand.u32 $0xFFFFFE00, v4  }
0x74: {  	v3 =	vor.u32 v3, v4  }
0x75: {  	v5 =	vor.u32 $0x80, v3  }
0x76: {  	v7 =	vor.u32 $0x100, v3  }
0x77: {  	v4 =	vshll.u32 v2, $0x2;
	v9 =	vor.u32 $0x180, v3  }
0x78: {  	v6 =	vand.u32 $0x7F, v2;
	v4 =	vand.u32 $0xFFFFFE00, v4  }
0x79: {  	v4 =	vor.u32 v6, v4;
	v3 =	vld.idx.msk [tilespmem:v3+s8+$0x0], $0xffff  }
0x7a: {  	v6 =	vor.u32 $0x80, v4;
	v5 =	vld.idx.msk [tilespmem:v5+s8+$0x0], $0xffff  }
0x7b: {  	v8 =	vor.u32 $0x100, v4;
	v7 =	vld.idx.msk [tilespmem:v7+s8+$0x0], $0xffff;
	s31 =	spop (v2sf)  }
0x7c: {  	v10 =	vor.u32 $0x180, v4;
	v9 =	vld.idx.msk [tilespmem:v9+s8+$0x0], $0xffff;
	p0 =	sgt.f32 s31, $0.0e+00  }
.Ltmp9:
0x7d: {  	_ = 	snop;
	(pc) =	sbr.rel @!p0 .LBB2_11-.Ltmp9, $4  }
0x7e: {  	[tilespmem:v4+s11+$0x0] =	vst.idx.add.f32.msk vm0, v3  }
0x7f: {  	[tilespmem:v6+s11+$0x0] =	vst.idx.add.f32.msk vm0, v5  }
0x80: {  	[tilespmem:v8+s11+$0x0] =	vst.idx.add.f32.msk vm0, v7  }
0x81: {  	[tilespmem:v10+s11+$0x0] =	vst.idx.add.f32.msk vm0, v9  }
0x82: {  	vm0 =	vmneg vm0  }
.LBB2_10:
0x83: {  	(xrf1) =	vunique.msk.u32 vm0, v2;
	_ =	sdelay $0xd  }
0x84: {  	_, v11, vm1 =	vpop (xrf1)  }
0x85: {  	vm2 =	vmneg vm1  }
0x86: {  	vm0 =	vmand vm0, vm2  }
0x87: {  	v11 =	vsel vm0, $0x3F800000, v0  }
0x88: {  	(xrf0) =	vmax.scan.msk.f32 $0xffff, v11;
	_ =	sdelay $0x5  }
0x89: {  	v11, _, _ =	vpop (xrf0)  }
0x8a: {  	(v2sf) =	vpush v11, $0xF;
	_ =	sdelay $0xe  }
0x8b: {  	s16 =	spop (v2sf)  }
0x8c: {  	p0 =	sgt.f32 s16, $0.0e+00  }
.Ltmp10:
0x8d: {  	_ = 	snop;
	(pc) =	sbr.rel @p0 .LBB2_10-.Ltmp10, $4  }
0x8e: {  	[tilespmem:v4+s11+$0x0] =	vst.idx.add.f32.msk vm1, v3  }
0x8f: {  	[tilespmem:v6+s11+$0x0] =	vst.idx.add.f32.msk vm1, v5  }
0x90: {  	[tilespmem:v8+s11+$0x0] =	vst.idx.add.f32.msk vm1, v7  }
0x91: {  	[tilespmem:v10+s11+$0x0] =	vst.idx.add.f32.msk vm1, v9  }
.Ltmp11:
0x92: {  	_ = 	snop;
	(pc) =	sbr.rel .LBB2_11-.Ltmp11, $1  }
0x93: {  	_ =	sdelay $0x3  }
.LBB2_12:
0x94: {  	v2 =	vld [tilespmem:$0xFC0];
	_ =	sdelay $0x4  }
0x95: {  	(xrf1) =	vunique.msk.u32 $0xffff, v2;
	_ =	sdelay $0xd  }
0x96: {  	_, v3, vm0 =	vpop (xrf1)  }
0x97: {  	v3 =	vsel vm0, $0x0, v1  }
0x98: {  	(xrf0) =	vmax.scan.msk.f32 $0xffff, v3;
	_ =	sdelay $0x5  }
0x99: {  	v4, _, _ =	vpop (xrf0)  }
0x9a: {  	(v2sf) =	vpush v4, $0xF  }
0x9b: {  	v3 =	vld [tilespmem:$0x7C0];
	_ =	sdelay $0x4  }
0x9c: {  	v4 =	vshll.u32 v3, $0x2  }
0x9d: {  	v3 =	vand.u32 $0x7F, v3;
	v4 =	vand.u32 $0xFFFFFE00, v4  }
0x9e: {  	v3 =	vor.u32 v3, v4  }
0x9f: {  	v5 =	vor.u32 $0x80, v3  }
0xa0: {  	v7 =	vor.u32 $0x100, v3  }
0xa1: {  	v4 =	vshll.u32 v2, $0x2;
	v9 =	vor.u32 $0x180, v3  }
0xa2: {  	v6 =	vand.u32 $0x7F, v2;
	v4 =	vand.u32 $0xFFFFFE00, v4  }
0xa3: {  	v4 =	vor.u32 v6, v4;
	v3 =	vld.idx.msk [tilespmem:v3+s8+$0x0], $0xffff  }
0xa4: {  	v6 =	vor.u32 $0x80, v4;
	v5 =	vld.idx.msk [tilespmem:v5+s8+$0x0], $0xffff  }
0xa5: {  	v8 =	vor.u32 $0x100, v4;
	v7 =	vld.idx.msk [tilespmem:v7+s8+$0x0], $0xffff;
	s15 =	spop (v2sf)  }
0xa6: {  	v10 =	vor.u32 $0x180, v4;
	v9 =	vld.idx.msk [tilespmem:v9+s8+$0x0], $0xffff;
	p0 =	sgt.f32 s15, $0.0e+00  }
.Ltmp12:
0xa7: {  	_ = 	snop;
	(pc) =	sbr.rel @!p0 .LBB2_15-.Ltmp12, $4  }
0xa8: {  	[tilespmem:v4+s11+$0x0] =	vst.idx.add.f32.msk vm0, v3  }
0xa9: {  	[tilespmem:v6+s11+$0x0] =	vst.idx.add.f32.msk vm0, v5  }
0xaa: {  	[tilespmem:v8+s11+$0x0] =	vst.idx.add.f32.msk vm0, v7  }
0xab: {  	[tilespmem:v10+s11+$0x0] =	vst.idx.add.f32.msk vm0, v9  }
0xac: {  	vm0 =	vmneg vm0  }
.LBB2_14:
0xad: {  	(xrf1) =	vunique.msk.u32 vm0, v2;
	_ =	sdelay $0xd  }
0xae: {  	_, v11, vm1 =	vpop (xrf1)  }
0xaf: {  	vm2 =	vmneg vm1  }
0xb0: {  	vm0 =	vmand vm0, vm2  }
0xb1: {  	v11 =	vsel vm0, $0x3F800000, v0  }
0xb2: {  	(xrf0) =	vmax.scan.msk.f32 $0xffff, v11;
	_ =	sdelay $0x5  }
0xb3: {  	v11, _, _ =	vpop (xrf0)  }
0xb4: {  	(v2sf) =	vpush v11, $0xF;
	_ =	sdelay $0xe  }
0xb5: {  	s15 =	spop (v2sf)  }
0xb6: {  	p0 =	sgt.f32 s15, $0.0e+00  }
.Ltmp13:
0xb7: {  	_ = 	snop;
	(pc) =	sbr.rel @p0 .LBB2_14-.Ltmp13, $4  }
0xb8: {  	[tilespmem:v4+s11+$0x0] =	vst.idx.add.f32.msk vm1, v3  }
0xb9: {  	[tilespmem:v6+s11+$0x0] =	vst.idx.add.f32.msk vm1, v5  }
0xba: {  	[tilespmem:v8+s11+$0x0] =	vst.idx.add.f32.msk vm1, v7  }
0xbb: {  	[tilespmem:v10+s11+$0x0] =	vst.idx.add.f32.msk vm1, v9  }
.Ltmp14:
0xbc: {  	_ = 	snop;
	(pc) =	sbr.rel .LBB2_15-.Ltmp14, $1  }
0xbd: {  	_ =	sdelay $0x3  }
.LBB2_17:
0xbe: {  	_ =	sfence.sel $0x180000  }
0xbf: {  	[bflag:$0x0] =	sbarrier.arrive $0xFFFF  }
0xc0: {  	p0 =	sne.s32 s0, $0x0;
	_ =	strace $0x9000004A  }
0xc1: {  	s0 =	sadd.s32 @!p0 $0x100000, s1;
	[bflag:$0x2] =	sbarrier.arrive $0xFFFF  }
0xc2: {  	[sflag:s0] =	ssyncadd.tile.s32 @!p0 $0x1;
	_ =	shalt  }
.Lfunc_end2:
_tile_overlayer_lowered:
.L_overlay_start_2:
0xc3: {  	(tag) =	ssettag $0x2  }
0xc4: {  	s0 =	rddreg [dreg:$0x0];
	s2 =	stileid.u32  }
0xc5: {  	s1 =	rddreg [dreg:$0x1];
	p0 =	sne.s32 s2, $0x0  }
0xc6: {  	s3 =	rddreg [dreg:$0x2];
	[bflag:$0x3] =	sbarrier.arrive $0xFFFF;
	s2 =	simm.s32 @!p0 $0x1C01  }
0xc7: {  	[timem:s3], [sflag:s2] =	dma.local @!p0 [hbm:s0], s1  }
0xc8: {  	s0 =	simm.s32 @!p0 $0x1  }
0xc9: {  	_ =	swait.ge @!p0 [sflag:s0], s1  }
0xca: {  	s1 =	ssub.s32 @!p0 $0x0, s1;
	[sflag:s0] =	ssyncset.done @!p0 $0x0  }
0xcb: {  	[sflag:s0] =	ssyncadd.s32 @!p0 s1  }
0xcc: {  	[bflag:$0x3] =	sbarrier.arrive $0xFFFF  }
0xcd: {  	_ =	shalt  }

// kernel: kernel.15.cloned.1.call-start
scs
__scs_entry_jumppad:
0x0: {  	(pc) =	sbr.rel $0x88, $3  }
0x1: {  	(tag) =	ssettag $0x0;
	lr =	simm.s32 $0x1  }
0x2: {  	[smem:$0x3F98] =	sst lr;
	_ =	strace $0xD0000000  }
0x3: {  	_ = 	snop  }
0x4: {  	_ = 	snop  }
0x5: {  	_ = 	snop  }
0x6: {  	_ = 	snop  }
0x7: {  	_ = 	snop  }
__scs_overlays_trampoline_lowered:
0x8: {  	[smem:$0x3FA7] =	sst s0  }
0x9: {  	[smem:$0x3FA8] =	sst s1  }
0xa: {  	[smem:$0x3FA9] =	sst s2  }
0xb: {  	[smem:$0x3FAA] =	sst s3  }
0xc: {  	[smem:$0x3FAB] =	sst s4  }
0xd: {  	[smem:$0x3FAC] =	sst s5  }
0xe: {  	[smem:$0x3FAD] =	sst s6  }
0xf: {  	[smem:$0x3FAE] =	sst s7  }
0x10: {  	[smem:$0x3FAF] =	sst s8  }
0x11: {  	[smem:$0x3FB0] =	sst s9;
	s0 =	simm.s32 @!p0 $0x0  }
0x12: {  	s1 =	sld [smem:$0x3F96];
	s0 =	simm.s32 @p0 $0x1  }
0x13: {  	[smem:$0x3FB1] =	sst s0;
	s0 =	simm.s32 @!p1 $0x0  }
0x14: {  	s2 =	sld [smem:$0x3F95];
	s0 =	simm.s32 @p1 $0x1  }
0x15: {  	[smem:$0x3FB2] =	sst s0;
	s0 =	simm.s32 @!p2 $0x0  }
0x16: {  	s3 =	sld [smem:$0x3FDB];
	s0 =	simm.s32 @p2 $0x1  }
0x17: {  	s4 =	simm.s32 $0x1BF5;
	[smem:$0x3FB4] =	sst s0  }
0x18: {  	s0 =	sld [smem:$0x3F97];
	_ =	swait.ge [sflag:s4], $0x0  }
0x19: {  	s7 =	sld [smem:$0x3F98]  }
0x1a: {  	s8 =	sadd.s32 $0xFFFFE003, lr  }
0x1b: {  	s9 =	sadd.s32 $0xFFFFFEF7, lr;
	s5 =	simm.s32 $0xFFFFFFFF;
	p2 =	slt.u32 s8, $0xFFFFF086  }
0x1c: {  	p1 =	slt.u32 s9, $0xF7A;
	s5 =	simm.s32 @!p2 $0x0  }
0x1d: {  	s5 =	simm.s32 @p1 $0x1;
	p0 =	seq.s32 s7, s2  }
0x1e: {  	s7 =	smul.u32 @!p0 $0xF7A, s2;
	p2 =	seq.s32 @!p0 s5, $0x0  }
0x1f: {  	s9 =	smul.u32 $0xF7A, s1;
	s8 =	simm.s32 @!p0 $0x1BF5;
	p2 =	por !p2, p0  }
0x20: {  	[sflag:s8] =	ssyncset.s32 @!p0 $0xFFFFF086;
	s6 =	sadd.s32 @!p0 s3, s7;
	s7 =	simm.s32 @!p0 $0x108  }
0x21: {  	s3 =	sadd.s32 s3, s9;
	s6 =	sadd.s32 @!p0 $0x88, s6;
	s7 =	simm.s32 @p2 $0x1082  }
0x22: {  	[simem:s7], [sflag:s8] =	dma.local @!p0 [hbm:s6], $0xF7A  }
0x23: {  	s9 =	sor.u32 $0xD0000000, s2;
	s6 =	simm.s32 $0x108;
	_ =	swait.ge @!p0 [sflag:s8], $0x0  }
0x24: {  	s3 =	sadd.s32 $0x88, s3;
	s6 =	simm.s32 @!p1 $0x1082;
	[sflag:s4] =	ssyncset.s32 $0xFFFFF086  }
0x25: {  	[simem:s6], [sflag:s4] =	dma.local [hbm:s3], $0xF7A  }
0x26: {  	[smem:$0x3F98] =	sst s1;
	(tag) =	ssettag s2;
	_ =	strace s9  }
0x27: {  	s1 =	sld [smem:$0x3FA8]  }
0x28: {  	s2 =	sld [smem:$0x3FA9]  }
0x29: {  	s4 =	sld [smem:$0x3FAB]  }
0x2a: {  	p0 =	seq.s32 s5, $0x0;
	s5 =	sld [smem:$0x3FAC]  }
0x2b: {  	s6 =	sld [smem:$0x3FAD]  }
0x2c: {  	s7 =	sld [smem:$0x3FAE]  }
0x2d: {  	s3 =	simm.s32 $0x108;
	s8 =	sld [smem:$0x3FAF]  }
0x2e: {  	s3 =	simm.s32 @!p0 $0x1082;
	s9 =	sld [smem:$0x3FB0]  }
0x2f: {  	lr =	sadd.s32 s0, s3;
	s0 =	sld [smem:$0x3FA7]  }
0x30: {  	s3 =	sld [smem:$0x3FAA]  }
0x31: {  	[smem:$0x3FB3] =	sst s10  }
0x32: {  	s10 =	sld [smem:$0x3FB1];
	_ =	sdelay $0x3  }
0x33: {  	p0 =	seq.s32 s10, $0x1;
	s10 =	sld [smem:$0x3FB3];
	_ =	sdelay $0x3  }
0x34: {  	[smem:$0x3FB3] =	sst s10  }
0x35: {  	s10 =	sld [smem:$0x3FB2];
	_ =	sdelay $0x3  }
0x36: {  	p1 =	seq.s32 s10, $0x1;
	s10 =	sld [smem:$0x3FB3];
	_ =	sdelay $0x3  }
0x37: {  	[smem:$0x3FB3] =	sst s10  }
0x38: {  	s10 =	sld [smem:$0x3FB4]  }
0x39: {  	_ = 	snop;
	(pc) =	sbr.ind lr, $3  }
0x3a: {  	_ = 	snop  }
0x3b: {  	_ = 	snop  }
0x3c: {  	p2 =	seq.s32 s10, $0x1;
	s10 =	sld [smem:$0x3FB3]  }
0x3d: {  	_ =	shalt  }
0x3e: {  	_ =	shalt  }
0x3f: {  	_ =	shalt  }
0x40: {  	_ =	shalt  }
0x41: {  	_ =	shalt  }
0x42: {  	_ =	shalt  }
0x43: {  	_ =	shalt  }
0x44: {  	_ =	shalt  }
0x45: {  	_ =	shalt  }
0x46: {  	_ =	shalt  }
0x47: {  	_ =	shalt  }
0x48: {  	_ =	shalt  }
0x49: {  	_ =	shalt  }
0x4a: {  	_ =	shalt  }
0x4b: {  	_ =	shalt  }
0x4c: {  	_ =	shalt  }
0x4d: {  	_ =	shalt  }
0x4e: {  	_ =	shalt  }
0x4f: {  	_ =	shalt  }
0x50: {  	_ =	shalt  }
0x51: {  	_ =	shalt  }
0x52: {  	_ =	shalt  }
0x53: {  	_ =	shalt  }
0x54: {  	_ =	shalt  }
0x55: {  	_ =	shalt  }
0x56: {  	_ =	shalt  }
0x57: {  	_ =	shalt  }
0x58: {  	_ =	shalt  }
0x59: {  	_ =	shalt  }
0x5a: {  	_ =	shalt  }
0x5b: {  	_ =	shalt  }
0x5c: {  	_ =	shalt  }
0x5d: {  	_ =	shalt  }
0x5e: {  	_ =	shalt  }
0x5f: {  	_ =	shalt  }
0x60: {  	_ =	shalt  }
0x61: {  	_ =	shalt  }
0x62: {  	_ =	shalt  }
0x63: {  	_ =	shalt  }
0x64: {  	_ =	shalt  }
0x65: {  	_ =	shalt  }
0x66: {  	_ =	shalt  }
0x67: {  	_ =	shalt  }
0x68: {  	_ =	shalt  }
0x69: {  	_ =	shalt  }
0x6a: {  	_ =	shalt  }
0x6b: {  	_ =	shalt  }
0x6c: {  	_ =	shalt  }
0x6d: {  	_ =	shalt  }
0x6e: {  	_ =	shalt  }
0x6f: {  	_ =	shalt  }
0x70: {  	_ =	shalt  }
0x71: {  	_ =	shalt  }
0x72: {  	_ =	shalt  }
0x73: {  	_ =	shalt  }
0x74: {  	_ =	shalt  }
0x75: {  	_ =	shalt  }
0x76: {  	_ =	shalt  }
0x77: {  	_ =	shalt  }
0x78: {  	_ =	shalt  }
0x79: {  	_ =	shalt  }
0x7a: {  	_ =	shalt  }
0x7b: {  	_ =	shalt  }
0x7c: {  	_ =	shalt  }
0x7d: {  	_ =	shalt  }
0x7e: {  	_ =	shalt  }
0x7f: {  	_ =	shalt  }
0x80: {  	_ =	shalt  }
0x81: {  	_ =	shalt  }
0x82: {  	_ =	shalt  }
0x83: {  	_ =	shalt  }
0x84: {  	_ =	shalt  }
0x85: {  	_ =	shalt  }
0x86: {  	_ =	shalt  }
0x87: {  	_ =	shalt  }
.Lfunc_end0:
.L_simem_size_0:
called_computation.2_lowered:
.L_overlay_start_0:
0x88: {  	s2 =	sld [smem:$0x3FD9]  }
0x89: {  	s3 =	sld [smem:$0x3FFE];
	_ =	sdelay $0x1  }
0x8a: {  	s1 =	srdreg.scid  }
0x8b: {  	s0 =	sand.u32 $0x1, s1  }
0x8c: {  	s16 =	sshll.u32 s0, $0xA;
	s2 =	sadd.s32 s3, s2  }
0x8d: {  	s2 =	sadd.s32 s2, s16  }
0x8e: {  	[smem:$0x3FBF] =	sst s2  }
0x8f: {  	_ = 	snop  }
0x90: {  	(tm) =	ssettm $0x1  }
0x91: {  	s17 =	sld [smem:$0x3FFB];
	_ =	sdelay $0x3  }
0x92: {  	_ =	strace s17  }
0x93: {  	s2 =	sld [smem:$0x3FFC];
	_ =	sdelay $0x3  }
0x94: {  	_ =	strace s2  }
0x95: {  	s2 =	sld [smem:$0x3FFD];
	_ =	sdelay $0x3  }
0x96: {  	_ =	strace s2  }
0x97: {  	_ =	strace $0x8FFFFFFF  }
0x98: {  	s18 =	sld [smem:$0x3FDB];
	_ =	sdelay $0x1  }
0x99: {  	s19 =	simm.s32 $_scs_section_size  }
0x9a: {  	s4 =	simm.s32 $_size__tile_overlayer_lowered;
	s5 =	simm.s32 $_tile_overlayer_lowered  }
0x9b: {  	s22 =	simm.s32 $0x1BFF;
	s21 =	sshll.u32 s5, $0x1;
	s2 =	sadd.s32 s19, s18  }
0x9c: {  	s6 =	simm.s32 $0x0;
	s20 =	sshll.u32 s4, $0x1;
	s4 =	sadd.s32 s21, s2  }
0x9d: {  	[timem:s6], [sflag:s22] =	dma.local [hbm:s4], s20  }
0x9e: {  	_ =	swait.ge [sflag:s22], s20  }
0x9f: {  	s3 =	ssub.s32 $0x0, s20;
	[sflag:s22] =	ssyncset.done $0x0  }
0xa0: {  	[sflag:s22] =	ssyncadd.s32 s3;
	_ =	sdelay $0x1  }
0xa1: {  	s23 =	simm.s32 $0x1B8B  }
0xa2: {  	_ =	swait.ge [sflag:s23], $0x1  }
0xa3: {  	[sflag:s23] =	ssyncset.done $0x0  }
0xa4: {  	s25 =	simm.s32 $0x1B8E;
	s24 =	sld [smem:$0x3FFE];
	[sflag:s23] =	ssyncadd.s32 $0xFFFFFFFF  }
0xa5: {  	s26 =	simm.s32 $execute0_lowered;
	[smem:$0x3FD2] =	sst s25  }
0xa6: {  	s4 =	sshll.u32 s26, $0x1;
	_ =	strace $0x8000004C;
	[dreg:$0x1] =	wrdreg $0xFFFFFFFF  }
0xa7: {  	s28 =	simm.s32 $_size_execute0_lowered;
	s2 =	sadd.s32 s2, s4;
	[dreg:$0x0] =	wrdreg $0x0  }
0xa8: {  	s4 =	sshll.u32 s28, $0x1;
	[dreg:$0x2] =	wrdreg s2  }
0xa9: {  	[dreg:$0x3] =	wrdreg s4  }
0xaa: {  	[dreg:$0x4] =	wrdreg $0xC0  }
0xab: {  	_ =	task [dreg:s6], $0x5FFFF  }
0xac: {  	[dreg:$0x1] =	wrdreg $0xFFFFFFFF  }
0xad: {  	[dreg:$0x0] =	wrdreg $0x60  }
0xae: {  	[dreg:$0x2] =	wrdreg s24  }
0xaf: {  	[dreg:$0x3] =	wrdreg $0x9  }
0xb0: {  	_ =	task.clear_ibuf [dreg:s6], $0x4FFFF;
	_ =	strace $0x9000004C  }
0xb1: {  	s29 =	simm.s32 $0x9;
	_ =	strace $0x8000004E  }
0xb2: {  	_ =	swait.ge [sflag:s29], $0x1  }
0xb3: {  	[sflag:s29] =	ssyncadd.s32 $0xFFFFFFFF  }
0xb4: {  	_ =	strace $0x9000004E  }
0xb5: {  	_ =	sfence  }
0xb6: {  	s30 =	sld [smem:$0x0];
	_ =	sdelay $0x2  }
0xb7: {  	s31 =	sshll.u32 s1, $0xD;
	s1 =	sshrl.u32 s1, $0x2  }
0xb8: {  	s3 =	sand.u32 $0x4000, s31;
	s1 =	sadd.s32 s1, s30  }
0xb9: {  	s0 =	sor.u32 s3, s0;
	s1 =	sshll.u32 s1, $0x11  }
0xba: {  	s0 =	sor.u32 s1, s0  }
0xbb: {  	s0 =	sadd.s32 $0x8F2B, s0  }
0xbc: {  	[sflag:s0] =	ssyncadd.remote.s32 $0x1  }
0xbd: {  	_ =	sfence.sel $0xFFFF  }
0xbe: {  	[dreg:$0x0] =	wrdreg $0xFFFFFFFF;
	(pc) =	sbr.abs _section_cstart, $3  }
0xbf: {  	[dreg:$0x1] =	wrdreg $0xFFFFFFFF  }
0xc0: {  	_ =	task.clear_ibuf [dreg:s6], $0x2FFFF;
	_ =	strace $0x9FFFFFFF  }
0xc1: {  	(tm) =	ssettm $0x7FFFFFFF  }
tec
execute0_lowered:
.L_overlay_start_1:
0x0: {  	(tag) =	ssettag $0x1  }
0x1: {  	s1 =	srdreg.scid;
	s0 =	stileid.u32  }
0x2: {  	s5 =	rddreg [dreg:$0x0];
	s2 =	simm.s32 $0x0;
	s8 =	simm.s32 $0x1000  }
0x3: {  	s9 =	simm.s32 $0x1;
	s10 =	simm.s32 $0x800;
	s11 =	simm.s32 $0xB000  }
0x4: {  	s12 =	simm.s32 $0x0;
	s4 =	sand.u32 $0x1, s1;
	s3 =	sshll.u32 s0, $0x1  }
.Ltmp0:
0x5: {  	s1 =	rddreg [dreg:$0x1];
	s3 =	sor.u32 s4, s3;
	(pc) =	sbr.rel .LBB2_1-.Ltmp0, $4  }
0x6: {  	[smem:$0x7FF] =	sst s2;
	s7 =	ssub.s32 $0x2, s4;
	s6 =	smul.u32 $0x1400, s3  }
0x7: {  	_ =	strace $0x8000004D;
	s4 =	sadd.s32 $0xBA00, s5;
	s31 =	sshrl.u32 s7, $0x1  }
0x8: {  	s3 =	sadd.s32 $0x1C00, s5;
	s7 =	ssub.s32 s7, s31;
	s6 =	sadd.s32 s6, s5  }
0x9: {  	v0 =	vimm.f32 $0.0e+00;
	v1 =	vimm.f32 $1.000000000e+00;
	s7 =	smax.u32 s7, $0x1;
	s5 =	sadd.s32 $0x15800, s6;
	s6 =	sadd.s32 $0x3D800, s6  }
.LBB2_16:
0xa: {  	s12 =	sadd.s32 $0x1, s12  }
0xb: {  	p0 =	sne.s32 s12, s7  }
.Ltmp1:
0xc: {  	_ = 	snop;
	(pc) =	sbr.rel @!p0 .LBB2_17-.Ltmp1, $4  }
0xd: {  	[hbm4b:s6+s2] =	stream.linear.scatter [tilespmem:s11], [sflag:$0x1], $0xA000, $0x38;
	[tilespmem:$0x15000] =	vst v63  }
0xe: {  	_ =	swait.ge [sflag:s9], $0xA000  }
0xf: {  	[sflag:s9] =	ssyncset.done $0x0  }
0x10: {  	[sflag:s9] =	ssyncadd.s32 $0xFFFF6000  }
.LBB2_1:
0x11: {  	s14 =	smul.u32 $0xCCCD, s2;
	_ =	sdelay $0x1  }
0x12: {  	s13 =	sshrl.u32 s14, $0x19  }
0x13: {  	s15 =	smul.u32 $0x280, s13  }
0x14: {  	s17 =	sshrl.u32 s14, $0x1B;
	s31 =	sshrl.u32 s14, $0x12  }
0x15: {  	s13 =	simm.s32 $0x1;
	s19 =	smul.u32 $0x28000, s17;
	s16 =	ssub.s32 $0x0, s15  }
0x16: {  	s17 =	sand.u32 $0x180, s31;
	s14 =	smul.u32 $0xCCCD, s13;
	s18 =	sshll.u32 s16, $0x6  }
0x17: {  	s15 =	simm.s32 $0x2;
	s19 =	sshrl.u32 s19, $0x2;
	s18 =	sand.u32 $0xFE00, s18  }
.LBB2_2:
0x18: {  	p0 =	sne.s32 s15, $0x9FF  }
0x19: {  	s16 =	sshll.u32 s16, $0x4;
	s18 =	sadd.s32 s18, s19;
	s19 =	sshrl.u32 s14, $0x19  }
0x1a: {  	s16 =	sand.u32 $0x70, s16;
	s17 =	sor.u32 s17, s18;
	s18 =	smul.u32 $0x280, s19  }
.Ltmp2:
0x1b: {  	s16 =	sor.u32 s16, s17;
	(pc) =	sbr.rel @p0 .LBB2_2-.Ltmp2, $4  }
0x1c: {  	s17 =	sshrl.u32 s14, $0x1B;
	[tilespmem:s16+$0xB000] =	vst v0;
	s16 =	smov.u32 s13;
	s13 =	smov.u32 s15  }
0x1d: {  	s19 =	smul.u32 $0x28000, s17;
	s16 =	ssub.s32 s16, s18;
	s18 =	sshrl.u32 s14, $0x12  }
0x1e: {  	s14 =	smul.u32 $0xCCCD, s15;
	s20 =	sshll.u32 s16, $0x6;
	s17 =	sand.u32 $0x180, s18  }
0x1f: {  	s15 =	sadd.s32 $0x1, s15;
	s19 =	sshrl.u32 s19, $0x2;
	s18 =	sand.u32 $0xFE00, s20  }
0x20: {  	s15 =	sshrl.u32 s14, $0x19  }
0x21: {  	s15 =	smul.u32 $0x280, s15  }
0x22: {  	s18 =	sadd.s32 s18, s19;
	s26 =	sshrl.u32 s14, $0x1B  }
0x23: {  	s28 =	sshll.u32 s16, $0x4;
	s29 =	smul.u32 $0x28000, s26;
	s13 =	ssub.s32 s13, s15  }
0x24: {  	s31 =	sshrl.u32 s14, $0x12;
	s17 =	sor.u32 s17, s18;
	s30 =	sshll.u32 s13, $0x6  }
0x25: {  	s14 =	sand.u32 $0x180, s31;
	s16 =	sshrl.u32 s29, $0x2;
	s18 =	sand.u32 $0xFE00, s30  }
0x26: {  	s15 =	sand.u32 $0x70, s28;
	s13 =	sshll.u32 s13, $0x4;
	s16 =	sadd.s32 s18, s16  }
0x27: {  	s15 =	sor.u32 s15, s17;
	s13 =	sand.u32 $0x70, s13;
	s14 =	sor.u32 s14, s16  }
0x28: {  	[tilespmem:s15+$0xB000] =	vst v0;
	s13 =	sor.u32 s13, s14  }
.Ltmp3:
0x29: {  	[tilespmem:s13+$0xB000] =	vst v0;
	s13 =	simm.s32 $0x0;
	(pc) =	sbr.rel .LBB2_4-.Ltmp3, $4  }
0x2a: {  	[tilespmem:s8], [sflag:$0x1] =	stream.linear.gather [hbm4b:s5+s13], $0xA000, $0x38;
	[tilespmem:$0x15000] =	vst v63  }
0x2b: {  	_ =	swait.ge [sflag:s9], $0xA000  }
0x2c: {  	[sflag:s9] =	ssyncset.done $0x0  }
0x2d: {  	s14 =	simm.s32 $0x0;
	[sflag:s9] =	ssyncadd.s32 $0xFFFF6000  }
.LBB2_15:
0x2e: {  	s14 =	sadd.s32 $0x1, s14  }
0x2f: {  	p0 =	sne.s32 s14, $0xA0  }
.Ltmp4:
0x30: {  	_ = 	snop;
	(pc) =	sbr.rel @!p0 .LBB2_16-.Ltmp4, $1  }
0x31: {  	_ =	sdelay $0x3  }
.LBB2_4:
0x32: {  	s15 =	smul.u32 $0xFA, s14;
	_ =	sdelay $0x1  }
0x33: {  	s16 =	sadd.s32 s3, s15  }
0x34: {  	[tilespmem:s13], [sflag:$0x1] =	stream.linear.gather [hbm4b:s16+s13], $0x7D0, $0x38;
	[tilespmem:$0x15000] =	vst v63  }
0x35: {  	_ =	swait.ge [sflag:s9], $0x7D0  }
0x36: {  	[sflag:s9] =	ssyncset.done $0x0  }
.Ltmp5:
0x37: {  	s15 =	sadd.s32 s4, s15;
	[sflag:s9] =	ssyncadd.s32 $0xFFFFF830;
	(pc) =	sbr.rel .LBB2_5-.Ltmp5, $4  }
0x38: {  	[tilespmem:s10], [sflag:$0x1] =	stream.linear.gather [hbm4b:s15+s13], $0x7D0, $0x38;
	[tilespmem:$0x15000] =	vst v63  }
0x39: {  	_ =	swait.ge [sflag:s9], $0x7D0  }
0x3a: {  	[sflag:s9] =	ssyncset.done $0x0  }
0x3b: {  	s15 =	simm.s32 $0x0;
	[sflag:s9] =	ssyncadd.s32 $0xFFFFF830  }
.LBB2_11:
0x3c: {  	p0 =	slt.u32 s15, $0x7A  }
.Ltmp6:
0x3d: {  	_ = 	snop;
	(pc) =	sbr.rel @!p0 .LBB2_12-.Ltmp6, $3  }
0x3e: {  	_ =	sdelay $0x1  }
0x3f: {  	s16 =	sadd.s32 $0x2, s15  }
0x40: {  	s15 =	smov.u32 s16  }
.LBB2_5:
0x41: {  	s16 =	sshll.u32 s15, $0x4  }
0x42: {  	v2 =	vld [tilespmem:s16+$0x800];
	_ =	sdelay $0x4  }
0x43: {  	(xrf1) =	vunique.msk.u32 $0xffff, v2;
	_ =	sdelay $0xd  }
0x44: {  	_, v3, vm0 =	vpop (xrf1)  }
0x45: {  	v3 =	vsel vm0, $0x0, v1  }
0x46: {  	(xrf0) =	vmax.scan.msk.f32 $0xffff, v3;
	_ =	sdelay $0x5  }
0x47: {  	v4, _, _ =	vpop (xrf0)  }
0x48: {  	(v2sf) =	vpush v4, $0xF  }
0x49: {  	v3 =	vld [tilespmem:s16+$0x0];
	_ =	sdelay $0x4  }
0x4a: {  	v4 =	vshll.u32 v3, $0x2  }
0x4b: {  	v3 =	vand.u32 $0x7F, v3;
	v4 =	vand.u32 $0xFFFFFE00, v4  }
0x4c: {  	v3 =	vor.u32 v3, v4  }
0x4d: {  	v5 =	vor.u32 $0x80, v3  }
0x4e: {  	v7 =	vor.u32 $0x100, v3  }
0x4f: {  	v4 =	vshll.u32 v2, $0x2;
	v9 =	vor.u32 $0x180, v3  }
0x50: {  	v6 =	vand.u32 $0x7F, v2;
	v4 =	vand.u32 $0xFFFFFE00, v4  }
0x51: {  	v4 =	vor.u32 v6, v4;
	v3 =	vld.idx.msk [tilespmem:v3+s8+$0x0], $0xffff  }
0x52: {  	v6 =	vor.u32 $0x80, v4;
	v5 =	vld.idx.msk [tilespmem:v5+s8+$0x0], $0xffff  }
0x53: {  	v8 =	vor.u32 $0x100, v4;
	v7 =	vld.idx.msk [tilespmem:v7+s8+$0x0], $0xffff;
	s17 =	spop (v2sf)  }
0x54: {  	v10 =	vor.u32 $0x180, v4;
	v9 =	vld.idx.msk [tilespmem:v9+s8+$0x0], $0xffff;
	p0 =	sgt.f32 s17, $0.0e+00  }
.Ltmp7:
0x55: {  	_ = 	snop;
	(pc) =	sbr.rel @!p0 .LBB2_8-.Ltmp7, $4  }
0x56: {  	[tilespmem:v4+s11+$0x0] =	vst.idx.add.f32.msk vm0, v3  }
0x57: {  	[tilespmem:v6+s11+$0x0] =	vst.idx.add.f32.msk vm0, v5  }
0x58: {  	[tilespmem:v8+s11+$0x0] =	vst.idx.add.f32.msk vm0, v7  }
0x59: {  	[tilespmem:v10+s11+$0x0] =	vst.idx.add.f32.msk vm0, v9  }
0x5a: {  	vm0 =	vmneg vm0  }
.LBB2_7:
0x5b: {  	(xrf1) =	vunique.msk.u32 vm0, v2;
	_ =	sdelay $0xd  }
0x5c: {  	_, v11, vm1 =	vpop (xrf1)  }
0x5d: {  	vm2 =	vmneg vm1  }
0x5e: {  	vm0 =	vmand vm0, vm2  }
0x5f: {  	v11 =	vsel vm0, $0x3F800000, v0  }
0x60: {  	(xrf0) =	vmax.scan.msk.f32 $0xffff, v11;
	_ =	sdelay $0x5  }
0x61: {  	v11, _, _ =	vpop (xrf0)  }
0x62: {  	(v2sf) =	vpush v11, $0xF;
	_ =	sdelay $0xe  }
0x63: {  	s17 =	spop (v2sf)  }
0x64: {  	p0 =	sgt.f32 s17, $0.0e+00  }
.Ltmp8:
0x65: {  	_ = 	snop;
	(pc) =	sbr.rel @p0 .LBB2_7-.Ltmp8, $4  }
0x66: {  	[tilespmem:v4+s11+$0x0] =	vst.idx.add.f32.msk vm1, v3  }
0x67: {  	[tilespmem:v6+s11+$0x0] =	vst.idx.add.f32.msk vm1, v5  }
0x68: {  	[tilespmem:v8+s11+$0x0] =	vst.idx.add.f32.msk vm1, v7  }
0x69: {  	[tilespmem:v10+s11+$0x0] =	vst.idx.add.f32.msk vm1, v9  }
.LBB2_8:
0x6a: {  	v2 =	vld [tilespmem:s16+$0x810];
	_ =	sdelay $0x4  }
0x6b: {  	(xrf1) =	vunique.msk.u32 $0xffff, v2;
	_ =	sdelay $0xd  }
0x6c: {  	_, v3, vm0 =	vpop (xrf1)  }
0x6d: {  	v3 =	vsel vm0, $0x0, v1  }
0x6e: {  	(xrf0) =	vmax.scan.msk.f32 $0xffff, v3;
	_ =	sdelay $0x5  }
0x6f: {  	v4, _, _ =	vpop (xrf0)  }
0x70: {  	s30 =	sor.u32 $0x10, s16;
	(v2sf) =	vpush v4, $0xF  }
0x71: {  	v3 =	vld [tilespmem:s30+$0x0];
	_ =	sdelay $0x4  }
0x72: {  	v4 =	vshll.u32 v3, $0x2  }
0x73: {  	v3 =	vand.u32 $0x7F, v3;
	v4 =	vand.u32 $0xFFFFFE00, v4  }
0x74: {  	v3 =	vor.u32 v3, v4  }
0x75: {  	v5 =	vor.u32 $0x80, v3  }
0x76: {  	v7 =	vor.u32 $0x100, v3  }
0x77: {  	v4 =	vshll.u32 v2, $0x2;
	v9 =	vor.u32 $0x180, v3  }
0x78: {  	v6 =	vand.u32 $0x7F, v2;
	v4 =	vand.u32 $0xFFFFFE00, v4  }
0x79: {  	v4 =	vor.u32 v6, v4;
	v3 =	vld.idx.msk [tilespmem:v3+s8+$0x0], $0xffff  }
0x7a: {  	v6 =	vor.u32 $0x80, v4;
	v5 =	vld.idx.msk [tilespmem:v5+s8+$0x0], $0xffff  }
0x7b: {  	v8 =	vor.u32 $0x100, v4;
	v7 =	vld.idx.msk [tilespmem:v7+s8+$0x0], $0xffff;
	s31 =	spop (v2sf)  }
0x7c: {  	v10 =	vor.u32 $0x180, v4;
	v9 =	vld.idx.msk [tilespmem:v9+s8+$0x0], $0xffff;
	p0 =	sgt.f32 s31, $0.0e+00  }
.Ltmp9:
0x7d: {  	_ = 	snop;
	(pc) =	sbr.rel @!p0 .LBB2_11-.Ltmp9, $4  }
0x7e: {  	[tilespmem:v4+s11+$0x0] =	vst.idx.add.f32.msk vm0, v3  }
0x7f: {  	[tilespmem:v6+s11+$0x0] =	vst.idx.add.f32.msk vm0, v5  }
0x80: {  	[tilespmem:v8+s11+$0x0] =	vst.idx.add.f32.msk vm0, v7  }
0x81: {  	[tilespmem:v10+s11+$0x0] =	vst.idx.add.f32.msk vm0, v9  }
0x82: {  	vm0 =	vmneg vm0  }
.LBB2_10:
0x83: {  	(xrf1) =	vunique.msk.u32 vm0, v2;
	_ =	sdelay $0xd  }
0x84: {  	_, v11, vm1 =	vpop (xrf1)  }
0x85: {  	vm2 =	vmneg vm1  }
0x86: {  	vm0 =	vmand vm0, vm2  }
0x87: {  	v11 =	vsel vm0, $0x3F800000, v0  }
0x88: {  	(xrf0) =	vmax.scan.msk.f32 $0xffff, v11;
	_ =	sdelay $0x5  }
0x89: {  	v11, _, _ =	vpop (xrf0)  }
0x8a: {  	(v2sf) =	vpush v11, $0xF;
	_ =	sdelay $0xe  }
0x8b: {  	s16 =	spop (v2sf)  }
0x8c: {  	p0 =	sgt.f32 s16, $0.0e+00  }
.Ltmp10:
0x8d: {  	_ = 	snop;
	(pc) =	sbr.rel @p0 .LBB2_10-.Ltmp10, $4  }
0x8e: {  	[tilespmem:v4+s11+$0x0] =	vst.idx.add.f32.msk vm1, v3  }
0x8f: {  	[tilespmem:v6+s11+$0x0] =	vst.idx.add.f32.msk vm1, v5  }
0x90: {  	[tilespmem:v8+s11+$0x0] =	vst.idx.add.f32.msk vm1, v7  }
0x91: {  	[tilespmem:v10+s11+$0x0] =	vst.idx.add.f32.msk vm1, v9  }
.Ltmp11:
0x92: {  	_ = 	snop;
	(pc) =	sbr.rel .LBB2_11-.Ltmp11, $1  }
0x93: {  	_ =	sdelay $0x3  }
.LBB2_12:
0x94: {  	v2 =	vld [tilespmem:$0xFC0];
	_ =	sdelay $0x4  }
0x95: {  	(xrf1) =	vunique.msk.u32 $0xffff, v2;
	_ =	sdelay $0xd  }
0x96: {  	_, v3, vm0 =	vpop (xrf1)  }
0x97: {  	v3 =	vsel vm0, $0x0, v1  }
0x98: {  	(xrf0) =	vmax.scan.msk.f32 $0xffff, v3;
	_ =	sdelay $0x5  }
0x99: {  	v4, _, _ =	vpop (xrf0)  }
0x9a: {  	(v2sf) =	vpush v4, $0xF  }
0x9b: {  	v3 =	vld [tilespmem:$0x7C0];
	_ =	sdelay $0x4  }
0x9c: {  	v4 =	vshll.u32 v3, $0x2  }
0x9d: {  	v3 =	vand.u32 $0x7F, v3;
	v4 =	vand.u32 $0xFFFFFE00, v4  }
0x9e: {  	v3 =	vor.u32 v3, v4  }
0x9f: {  	v5 =	vor.u32 $0x80, v3  }
0xa0: {  	v7 =	vor.u32 $0x100, v3  }
0xa1: {  	v4 =	vshll.u32 v2, $0x2;
	v9 =	vor.u32 $0x180, v3  }
0xa2: {  	v6 =	vand.u32 $0x7F, v2;
	v4 =	vand.u32 $0xFFFFFE00, v4  }
0xa3: {  	v4 =	vor.u32 v6, v4;
	v3 =	vld.idx.msk [tilespmem:v3+s8+$0x0], $0xffff  }
0xa4: {  	v6 =	vor.u32 $0x80, v4;
	v5 =	vld.idx.msk [tilespmem:v5+s8+$0x0], $0xffff  }
0xa5: {  	v8 =	vor.u32 $0x100, v4;
	v7 =	vld.idx.msk [tilespmem:v7+s8+$0x0], $0xffff;
	s15 =	spop (v2sf)  }
0xa6: {  	v10 =	vor.u32 $0x180, v4;
	v9 =	vld.idx.msk [tilespmem:v9+s8+$0x0], $0xffff;
	p0 =	sgt.f32 s15, $0.0e+00  }
.Ltmp12:
0xa7: {  	_ = 	snop;
	(pc) =	sbr.rel @!p0 .LBB2_15-.Ltmp12, $4  }
0xa8: {  	[tilespmem:v4+s11+$0x0] =	vst.idx.add.f32.msk vm0, v3  }
0xa9: {  	[tilespmem:v6+s11+$0x0] =	vst.idx.add.f32.msk vm0, v5  }
0xaa: {  	[tilespmem:v8+s11+$0x0] =	vst.idx.add.f32.msk vm0, v7  }
0xab: {  	[tilespmem:v10+s11+$0x0] =	vst.idx.add.f32.msk vm0, v9  }
0xac: {  	vm0 =	vmneg vm0  }
.LBB2_14:
0xad: {  	(xrf1) =	vunique.msk.u32 vm0, v2;
	_ =	sdelay $0xd  }
0xae: {  	_, v11, vm1 =	vpop (xrf1)  }
0xaf: {  	vm2 =	vmneg vm1  }
0xb0: {  	vm0 =	vmand vm0, vm2  }
0xb1: {  	v11 =	vsel vm0, $0x3F800000, v0  }
0xb2: {  	(xrf0) =	vmax.scan.msk.f32 $0xffff, v11;
	_ =	sdelay $0x5  }
0xb3: {  	v11, _, _ =	vpop (xrf0)  }
0xb4: {  	(v2sf) =	vpush v11, $0xF;
	_ =	sdelay $0xe  }
0xb5: {  	s15 =	spop (v2sf)  }
0xb6: {  	p0 =	sgt.f32 s15, $0.0e+00  }
.Ltmp13:
0xb7: {  	_ = 	snop;
	(pc) =	sbr.rel @p0 .LBB2_14-.Ltmp13, $4  }
0xb8: {  	[tilespmem:v4+s11+$0x0] =	vst.idx.add.f32.msk vm1, v3  }
0xb9: {  	[tilespmem:v6+s11+$0x0] =	vst.idx.add.f32.msk vm1, v5  }
0xba: {  	[tilespmem:v8+s11+$0x0] =	vst.idx.add.f32.msk vm1, v7  }
0xbb: {  	[tilespmem:v10+s11+$0x0] =	vst.idx.add.f32.msk vm1, v9  }
.Ltmp14:
0xbc: {  	_ = 	snop;
	(pc) =	sbr.rel .LBB2_15-.Ltmp14, $1  }
0xbd: {  	_ =	sdelay $0x3  }
.LBB2_17:
0xbe: {  	_ =	sfence.sel $0x180000  }
0xbf: {  	[bflag:$0x0] =	sbarrier.arrive $0xFFFF  }
0xc0: {  	p0 =	sne.s32 s0, $0x0;
	_ =	strace $0x9000004D  }
0xc1: {  	s0 =	sadd.s32 @!p0 $0x100000, s1;
	[bflag:$0x2] =	sbarrier.arrive $0xFFFF  }
0xc2: {  	[sflag:s0] =	ssyncadd.tile.s32 @!p0 $0x1;
	_ =	shalt  }
.Lfunc_end2:
_tile_overlayer_lowered:
.L_overlay_start_2:
0xc3: {  	(tag) =	ssettag $0x2  }
0xc4: {  	s0 =	rddreg [dreg:$0x0];
	s2 =	stileid.u32  }
0xc5: {  	s1 =	rddreg [dreg:$0x1];
	p0 =	sne.s32 s2, $0x0  }
0xc6: {  	s3 =	rddreg [dreg:$0x2];
	[bflag:$0x3] =	sbarrier.arrive $0xFFFF;
	s2 =	simm.s32 @!p0 $0x1C01  }
0xc7: {  	[timem:s3], [sflag:s2] =	dma.local @!p0 [hbm:s0], s1  }
0xc8: {  	s0 =	simm.s32 @!p0 $0x1  }
0xc9: {  	_ =	swait.ge @!p0 [sflag:s0], s1  }
0xca: {  	s1 =	ssub.s32 @!p0 $0x0, s1;
	[sflag:s0] =	ssyncset.done @!p0 $0x0  }
0xcb: {  	[sflag:s0] =	ssyncadd.s32 @!p0 s1  }
0xcc: {  	[bflag:$0x3] =	sbarrier.arrive $0xFFFF  }
0xcd: {  	_ =	shalt  }

// kernel: kernel.9.cloned.1.call-start
scs
__scs_entry_jumppad:
0x0: {  	(pc) =	sbr.rel $0x88, $3  }
0x1: {  	(tag) =	ssettag $0x0;
	lr =	simm.s32 $0x1  }
0x2: {  	[smem:$0x3F98] =	sst lr;
	_ =	strace $0xD0000000  }
0x3: {  	_ = 	snop  }
0x4: {  	_ = 	snop  }
0x5: {  	_ = 	snop  }
0x6: {  	_ = 	snop  }
0x7: {  	_ = 	snop  }
__scs_overlays_trampoline_lowered:
0x8: {  	[smem:$0x3FA7] =	sst s0  }
0x9: {  	[smem:$0x3FA8] =	sst s1  }
0xa: {  	[smem:$0x3FA9] =	sst s2  }
0xb: {  	[smem:$0x3FAA] =	sst s3  }
0xc: {  	[smem:$0x3FAB] =	sst s4  }
0xd: {  	[smem:$0x3FAC] =	sst s5  }
0xe: {  	[smem:$0x3FAD] =	sst s6  }
0xf: {  	[smem:$0x3FAE] =	sst s7  }
0x10: {  	[smem:$0x3FAF] =	sst s8  }
0x11: {  	[smem:$0x3FB0] =	sst s9;
	s0 =	simm.s32 @!p0 $0x0  }
0x12: {  	s1 =	sld [smem:$0x3F96];
	s0 =	simm.s32 @p0 $0x1  }
0x13: {  	[smem:$0x3FB1] =	sst s0;
	s0 =	simm.s32 @!p1 $0x0  }
0x14: {  	s2 =	sld [smem:$0x3F95];
	s0 =	simm.s32 @p1 $0x1  }
0x15: {  	[smem:$0x3FB2] =	sst s0;
	s0 =	simm.s32 @!p2 $0x0  }
0x16: {  	s3 =	sld [smem:$0x3FDB];
	s0 =	simm.s32 @p2 $0x1  }
0x17: {  	s4 =	simm.s32 $0x1BF5;
	[smem:$0x3FB4] =	sst s0  }
0x18: {  	s0 =	sld [smem:$0x3F97];
	_ =	swait.ge [sflag:s4], $0x0  }
0x19: {  	s7 =	sld [smem:$0x3F98]  }
0x1a: {  	s8 =	sadd.s32 $0xFFFFE003, lr  }
0x1b: {  	s9 =	sadd.s32 $0xFFFFFEF7, lr;
	s5 =	simm.s32 $0xFFFFFFFF;
	p2 =	slt.u32 s8, $0xFFFFF086  }
0x1c: {  	p1 =	slt.u32 s9, $0xF7A;
	s5 =	simm.s32 @!p2 $0x0  }
0x1d: {  	s5 =	simm.s32 @p1 $0x1;
	p0 =	seq.s32 s7, s2  }
0x1e: {  	s7 =	smul.u32 @!p0 $0xF7A, s2;
	p2 =	seq.s32 @!p0 s5, $0x0  }
0x1f: {  	s9 =	smul.u32 $0xF7A, s1;
	s8 =	simm.s32 @!p0 $0x1BF5;
	p2 =	por !p2, p0  }
0x20: {  	[sflag:s8] =	ssyncset.s32 @!p0 $0xFFFFF086;
	s6 =	sadd.s32 @!p0 s3, s7;
	s7 =	simm.s32 @!p0 $0x108  }
0x21: {  	s3 =	sadd.s32 s3, s9;
	s6 =	sadd.s32 @!p0 $0x88, s6;
	s7 =	simm.s32 @p2 $0x1082  }
0x22: {  	[simem:s7], [sflag:s8] =	dma.local @!p0 [hbm:s6], $0xF7A  }
0x23: {  	s9 =	sor.u32 $0xD0000000, s2;
	s6 =	simm.s32 $0x108;
	_ =	swait.ge @!p0 [sflag:s8], $0x0  }
0x24: {  	s3 =	sadd.s32 $0x88, s3;
	s6 =	simm.s32 @!p1 $0x1082;
	[sflag:s4] =	ssyncset.s32 $0xFFFFF086  }
0x25: {  	[simem:s6], [sflag:s4] =	dma.local [hbm:s3], $0xF7A  }
0x26: {  	[smem:$0x3F98] =	sst s1;
	(tag) =	ssettag s2;
	_ =	strace s9  }
0x27: {  	s1 =	sld [smem:$0x3FA8]  }
0x28: {  	s2 =	sld [smem:$0x3FA9]  }
0x29: {  	s4 =	sld [smem:$0x3FAB]  }
0x2a: {  	p0 =	seq.s32 s5, $0x0;
	s5 =	sld [smem:$0x3FAC]  }
0x2b: {  	s6 =	sld [smem:$0x3FAD]  }
0x2c: {  	s7 =	sld [smem:$0x3FAE]  }
0x2d: {  	s3 =	simm.s32 $0x108;
	s8 =	sld [smem:$0x3FAF]  }
0x2e: {  	s3 =	simm.s32 @!p0 $0x1082;
	s9 =	sld [smem:$0x3FB0]  }
0x2f: {  	lr =	sadd.s32 s0, s3;
	s0 =	sld [smem:$0x3FA7]  }
0x30: {  	s3 =	sld [smem:$0x3FAA]  }
0x31: {  	[smem:$0x3FB3] =	sst s10  }
0x32: {  	s10 =	sld [smem:$0x3FB1];
	_ =	sdelay $0x3  }
0x33: {  	p0 =	seq.s32 s10, $0x1;
	s10 =	sld [smem:$0x3FB3];
	_ =	sdelay $0x3  }
0x34: {  	[smem:$0x3FB3] =	sst s10  }
0x35: {  	s10 =	sld [smem:$0x3FB2];
	_ =	sdelay $0x3  }
0x36: {  	p1 =	seq.s32 s10, $0x1;
	s10 =	sld [smem:$0x3FB3];
	_ =	sdelay $0x3  }
0x37: {  	[smem:$0x3FB3] =	sst s10  }
0x38: {  	s10 =	sld [smem:$0x3FB4]  }
0x39: {  	_ = 	snop;
	(pc) =	sbr.ind lr, $3  }
0x3a: {  	_ = 	snop  }
0x3b: {  	_ = 	snop  }
0x3c: {  	p2 =	seq.s32 s10, $0x1;
	s10 =	sld [smem:$0x3FB3]  }
0x3d: {  	_ =	shalt  }
0x3e: {  	_ =	shalt  }
0x3f: {  	_ =	shalt  }
0x40: {  	_ =	shalt  }
0x41: {  	_ =	shalt  }
0x42: {  	_ =	shalt  }
0x43: {  	_ =	shalt  }
0x44: {  	_ =	shalt  }
0x45: {  	_ =	shalt  }
0x46: {  	_ =	shalt  }
0x47: {  	_ =	shalt  }
0x48: {  	_ =	shalt  }
0x49: {  	_ =	shalt  }
0x4a: {  	_ =	shalt  }
0x4b: {  	_ =	shalt  }
0x4c: {  	_ =	shalt  }
0x4d: {  	_ =	shalt  }
0x4e: {  	_ =	shalt  }
0x4f: {  	_ =	shalt  }
0x50: {  	_ =	shalt  }
0x51: {  	_ =	shalt  }
0x52: {  	_ =	shalt  }
0x53: {  	_ =	shalt  }
0x54: {  	_ =	shalt  }
0x55: {  	_ =	shalt  }
0x56: {  	_ =	shalt  }
0x57: {  	_ =	shalt  }
0x58: {  	_ =	shalt  }
0x59: {  	_ =	shalt  }
0x5a: {  	_ =	shalt  }
0x5b: {  	_ =	shalt  }
0x5c: {  	_ =	shalt  }
0x5d: {  	_ =	shalt  }
0x5e: {  	_ =	shalt  }
0x5f: {  	_ =	shalt  }
0x60: {  	_ =	shalt  }
0x61: {  	_ =	shalt  }
0x62: {  	_ =	shalt  }
0x63: {  	_ =	shalt  }
0x64: {  	_ =	shalt  }
0x65: {  	_ =	shalt  }
0x66: {  	_ =	shalt  }
0x67: {  	_ =	shalt  }
0x68: {  	_ =	shalt  }
0x69: {  	_ =	shalt  }
0x6a: {  	_ =	shalt  }
0x6b: {  	_ =	shalt  }
0x6c: {  	_ =	shalt  }
0x6d: {  	_ =	shalt  }
0x6e: {  	_ =	shalt  }
0x6f: {  	_ =	shalt  }
0x70: {  	_ =	shalt  }
0x71: {  	_ =	shalt  }
0x72: {  	_ =	shalt  }
0x73: {  	_ =	shalt  }
0x74: {  	_ =	shalt  }
0x75: {  	_ =	shalt  }
0x76: {  	_ =	shalt  }
0x77: {  	_ =	shalt  }
0x78: {  	_ =	shalt  }
0x79: {  	_ =	shalt  }
0x7a: {  	_ =	shalt  }
0x7b: {  	_ =	shalt  }
0x7c: {  	_ =	shalt  }
0x7d: {  	_ =	shalt  }
0x7e: {  	_ =	shalt  }
0x7f: {  	_ =	shalt  }
0x80: {  	_ =	shalt  }
0x81: {  	_ =	shalt  }
0x82: {  	_ =	shalt  }
0x83: {  	_ =	shalt  }
0x84: {  	_ =	shalt  }
0x85: {  	_ =	shalt  }
0x86: {  	_ =	shalt  }
0x87: {  	_ =	shalt  }
.Lfunc_end0:
.L_simem_size_0:
called_computation_lowered:
.L_overlay_start_0:
0x88: {  	s2 =	sld [smem:$0x3FD9]  }
0x89: {  	s3 =	sld [smem:$0x3FFE];
	_ =	sdelay $0x1  }
0x8a: {  	s1 =	srdreg.scid  }
0x8b: {  	s0 =	sand.u32 $0x1, s1  }
0x8c: {  	s16 =	sshll.u32 s0, $0xA;
	s2 =	sadd.s32 s3, s2  }
0x8d: {  	s2 =	sadd.s32 s2, s16  }
0x8e: {  	[smem:$0x3FBF] =	sst s2  }
0x8f: {  	_ = 	snop  }
0x90: {  	(tm) =	ssettm $0x1  }
0x91: {  	s17 =	sld [smem:$0x3FFB];
	_ =	sdelay $0x3  }
0x92: {  	_ =	strace s17  }
0x93: {  	s2 =	sld [smem:$0x3FFC];
	_ =	sdelay $0x3  }
0x94: {  	_ =	strace s2  }
0x95: {  	s2 =	sld [smem:$0x3FFD];
	_ =	sdelay $0x3  }
0x96: {  	_ =	strace s2  }
0x97: {  	_ =	strace $0x8FFFFFFF  }
0x98: {  	s18 =	sld [smem:$0x3FDB];
	_ =	sdelay $0x1  }
0x99: {  	s19 =	simm.s32 $_scs_section_size  }
0x9a: {  	s4 =	simm.s32 $_size__tile_overlayer_lowered;
	s5 =	simm.s32 $_tile_overlayer_lowered  }
0x9b: {  	s22 =	simm.s32 $0x1BFF;
	s21 =	sshll.u32 s5, $0x1;
	s2 =	sadd.s32 s19, s18  }
0x9c: {  	s6 =	simm.s32 $0x0;
	s20 =	sshll.u32 s4, $0x1;
	s4 =	sadd.s32 s21, s2  }
0x9d: {  	[timem:s6], [sflag:s22] =	dma.local [hbm:s4], s20  }
0x9e: {  	_ =	swait.ge [sflag:s22], s20  }
0x9f: {  	s3 =	ssub.s32 $0x0, s20;
	[sflag:s22] =	ssyncset.done $0x0  }
0xa0: {  	[sflag:s22] =	ssyncadd.s32 s3;
	_ =	sdelay $0x1  }
0xa1: {  	s23 =	simm.s32 $0x1B8B  }
0xa2: {  	_ =	swait.ge [sflag:s23], $0x1  }
0xa3: {  	[sflag:s23] =	ssyncset.done $0x0  }
0xa4: {  	s25 =	simm.s32 $0x1B8E;
	s24 =	sld [smem:$0x3FFE];
	[sflag:s23] =	ssyncadd.s32 $0xFFFFFFFF  }
0xa5: {  	s26 =	simm.s32 $execute0_lowered;
	[smem:$0x3FD2] =	sst s25  }
0xa6: {  	s4 =	sshll.u32 s26, $0x1;
	_ =	strace $0x80000046;
	[dreg:$0x1] =	wrdreg $0xFFFFFFFF  }
0xa7: {  	s28 =	simm.s32 $_size_execute0_lowered;
	s2 =	sadd.s32 s2, s4;
	[dreg:$0x0] =	wrdreg $0x0  }
0xa8: {  	s4 =	sshll.u32 s28, $0x1;
	[dreg:$0x2] =	wrdreg s2  }
0xa9: {  	[dreg:$0x3] =	wrdreg s4  }
0xaa: {  	[dreg:$0x4] =	wrdreg $0xC0  }
0xab: {  	_ =	task [dreg:s6], $0x5FFFF  }
0xac: {  	[dreg:$0x1] =	wrdreg $0xFFFFFFFF  }
0xad: {  	[dreg:$0x0] =	wrdreg $0x60  }
0xae: {  	[dreg:$0x2] =	wrdreg s24  }
0xaf: {  	[dreg:$0x3] =	wrdreg $0x9  }
0xb0: {  	_ =	task.clear_ibuf [dreg:s6], $0x4FFFF;
	_ =	strace $0x90000046  }
0xb1: {  	s29 =	simm.s32 $0x9;
	_ =	strace $0x80000048  }
0xb2: {  	_ =	swait.ge [sflag:s29], $0x1  }
0xb3: {  	[sflag:s29] =	ssyncadd.s32 $0xFFFFFFFF  }
0xb4: {  	_ =	strace $0x90000048  }
0xb5: {  	_ =	sfence  }
0xb6: {  	s30 =	sld [smem:$0x0];
	_ =	sdelay $0x2  }
0xb7: {  	s31 =	sshll.u32 s1, $0xD;
	s1 =	sshrl.u32 s1, $0x2  }
0xb8: {  	s3 =	sand.u32 $0x4000, s31;
	s1 =	sadd.s32 s1, s30  }
0xb9: {  	s0 =	sor.u32 s3, s0;
	s1 =	sshll.u32 s1, $0x11  }
0xba: {  	s0 =	sor.u32 s1, s0  }
0xbb: {  	s0 =	sadd.s32 $0x8F2B, s0  }
0xbc: {  	[sflag:s0] =	ssyncadd.remote.s32 $0x1  }
0xbd: {  	_ =	sfence.sel $0xFFFF  }
0xbe: {  	[dreg:$0x0] =	wrdreg $0xFFFFFFFF;
	(pc) =	sbr.abs _section_cstart, $3  }
0xbf: {  	[dreg:$0x1] =	wrdreg $0xFFFFFFFF  }
0xc0: {  	_ =	task.clear_ibuf [dreg:s6], $0x2FFFF;
	_ =	strace $0x9FFFFFFF  }
0xc1: {  	(tm) =	ssettm $0x7FFFFFFF  }
tec
execute0_lowered:
.L_overlay_start_1:
0x0: {  	(tag) =	ssettag $0x1  }
0x1: {  	s4 =	rddreg [dreg:$0x0]  }
0x2: {  	s0 =	rddreg [dreg:$0x1]  }
0x3: {  	s3 =	srdreg.scid;
	s1 =	stileid.u32;
	s2 =	simm.s32 $0x0  }
0x4: {  	s9 =	simm.s32 $0x0;
	s3 =	sand.u32 $0x1, s3;
	s5 =	sshll.u32 s1, $0x1  }
.Ltmp0:
0x5: {  	[smem:$0x7FF] =	sst s2;
	s5 =	sor.u32 s3, s5;
	(pc) =	sbr.rel .LBB2_1-.Ltmp0, $4  }
0x6: {  	s6 =	ssub.s32 $0x2, s3;
	_ =	strace $0x80000047;
	s7 =	sshll.u32 s5, $0xB  }
0x7: {  	s3 =	sadd.s32 $0xBA00, s4;
	s8 =	sshrl.u32 s6, $0x1;
	s7 =	sadd.s32 s7, s4  }
0x8: {  	s6 =	ssub.s32 s6, s8;
	s4 =	smul.u32 $0x2710, s5;
	s8 =	simm.s32 $0x800  }
0x9: {  	v0 =	vimm.f32 $0.0e+00;
	v1 =	vimm.f32 $1.000000000e+00;
	s5 =	sadd.s32 $0x15800, s7;
	s6 =	smax.u32 s6, $0x1;
	s7 =	simm.s32 $0x1  }
.LBB2_10:
0xa: {  	s9 =	sadd.s32 $0x1, s9  }
0xb: {  	p0 =	sne.s32 s9, s6  }
.Ltmp1:
0xc: {  	_ = 	snop;
	(pc) =	sbr.rel @!p0 .LBB2_11-.Ltmp1, $4  }
0xd: {  	[hbm4b:s5+s2] =	stream.linear.scatter [tilespmem:s8], [sflag:$0x1], $0x4000, $0x38;
	[tilespmem:$0x4880] =	vst v63  }
0xe: {  	_ =	swait.ge [sflag:s7], $0x4000  }
0xf: {  	[sflag:s7] =	ssyncset.done $0x0  }
0x10: {  	[sflag:s7] =	ssyncadd.s32 $0xFFFFC000  }
.LBB2_1:
0x11: {  	s10 =	simm.s32 $0x0  }
0x12: {  	s11 =	sand.u32 $0x1C00, s2;
	s12 =	simm.s32 $0x0;
	s10 =	sand.u32 $0x2000, s10  }
0x13: {  	s12 =	sand.u32 $0x380, s12;
	s10 =	sor.u32 s11, s10  }
0x14: {  	s31 =	sand.u32 $0x70, s2;
	s10 =	sor.u32 s12, s10  }
0x15: {  	s11 =	sor.u32 s31, s10  }
0x16: {  	s12 =	simm.s32 $0x0;
	s10 =	simm.s32 $0x1;
	[tilespmem:s11+$0x800] =	vst v0;
	s11 =	simm.s32 $0x80  }
.LBB2_2:
0x17: {  	s13 =	sshll.u32 s10, $0x4;
	p0 =	sne.s32 s10, $0x27F  }
0x18: {  	s14 =	smov.u32 s10;
	s10 =	sadd.s32 $0x1, s10;
	s15 =	sand.u32 $0x1C00, s11  }
.Ltmp2:
0x19: {  	s13 =	sand.u32 $0x2000, s13;
	s14 =	sshll.u32 s14, $0x1;
	(pc) =	sbr.rel @p0 .LBB2_2-.Ltmp2, $4  }
0x1a: {  	s12 =	sadd.s32 $0x10, s12;
	s14 =	sand.u32 $0x380, s14;
	s13 =	sor.u32 s15, s13  }
0x1b: {  	s15 =	sand.u32 $0x70, s12;
	s13 =	sor.u32 s14, s13  }
0x1c: {  	s13 =	sor.u32 s15, s13  }
0x1d: {  	s11 =	sadd.s32 $0x80, s11;
	[tilespmem:s13+$0x800] =	vst v0  }
.Ltmp3:
0x1e: {  	(pc) =	sbr.rel .LBB2_4-.Ltmp3, $2  }
0x1f: {  	_ =	sdelay $0x2  }
0x20: {  	[tilespmem:$0x4800] =	vst v1;
	s10 =	simm.s32 $0x0;
	s11 =	simm.s32 $0x0  }
.LBB2_9:
0x21: {  	s11 =	sadd.s32 $0x1, s11  }
0x22: {  	p0 =	sne.s32 s11, $0x5  }
.Ltmp4:
0x23: {  	_ = 	snop;
	(pc) =	sbr.rel @!p0 .LBB2_10-.Ltmp4, $1  }
0x24: {  	_ =	sdelay $0x3  }
.LBB2_4:
0x25: {  	s12 =	smul.u32 $0x7D0, s11;
	_ =	sdelay $0x1  }
0x26: {  	s12 =	sadd.s32 s4, s12  }
0x27: {  	s12 =	sshrl.u32 s12, $0x3  }
.Ltmp5:
0x28: {  	s12 =	sadd.s32 s3, s12;
	(pc) =	sbr.rel .LBB2_5-.Ltmp5, $4  }
0x29: {  	[tilespmem:s10], [sflag:$0x1] =	stream.linear.gather [hbm4b:s12+s10], $0x7D0, $0x38;
	[tilespmem:$0x4880] =	vst v63  }
0x2a: {  	_ =	swait.ge [sflag:s7], $0x7D0  }
0x2b: {  	[sflag:s7] =	ssyncset.done $0x0  }
0x2c: {  	s12 =	simm.s32 $0x0;
	[sflag:s7] =	ssyncadd.s32 $0xFFFFF830  }
.LBB2_8:
0x2d: {  	s12 =	sadd.s32 $0x1, s12  }
0x2e: {  	p0 =	sne.s32 s12, $0x7D  }
.Ltmp6:
0x2f: {  	_ = 	snop;
	(pc) =	sbr.rel @!p0 .LBB2_9-.Ltmp6, $1  }
0x30: {  	_ =	sdelay $0x3  }
.LBB2_5:
0x31: {  	s13 =	sshll.u32 s12, $0x4  }
0x32: {  	s13 =	sand.u32 $0x3FFFFFF0, s13  }
0x33: {  	v2 =	vld [tilespmem:s13+$0x0];
	_ =	sdelay $0x4  }
0x34: {  	(xrf1) =	vunique.msk.u32 $0xffff, v2;
	_ =	sdelay $0xd  }
0x35: {  	_, v3, vm0 =	vpop (xrf1)  }
0x36: {  	v3 =	vsel vm0, $0x0, v1  }
0x37: {  	(xrf0) =	vmax.scan.msk.f32 $0xffff, v3;
	_ =	sdelay $0x5  }
0x38: {  	v3, _, _ =	vpop (xrf0)  }
0x39: {  	(v2sf) =	vpush v3, $0xF;
	_ =	sdelay $0xc  }
0x3a: {  	v3 =	vshll.u32 v2, $0x3  }
0x3b: {  	v4 =	vshrl.u32 v2, $0x3;
	v5 =	vand.u32 $0xFFFFE07F, v2;
	v3 =	vand.u32 $0x1C00, v3  }
0x3c: {  	v4 =	vand.u32 $0x380, v4;
	v3 =	vor.u32 v3, v5;
	s31 =	spop (v2sf)  }
0x3d: {  	v5 =	vld [tilespmem:$0x4800];
	v3 =	vor.u32 v4, v3;
	p0 =	sgt.f32 s31, $0.0e+00  }
.Ltmp7:
0x3e: {  	_ = 	snop;
	(pc) =	sbr.rel @!p0 .LBB2_8-.Ltmp7, $2  }
0x3f: {  	_ =	sdelay $0x2  }
0x40: {  	[tilespmem:v3+s8+$0x0] =	vst.idx.add.f32.msk vm0, v5  }
0x41: {  	vm0 =	vmneg vm0  }
.LBB2_7:
0x42: {  	(xrf1) =	vunique.msk.u32 vm0, v2;
	_ =	sdelay $0xd  }
0x43: {  	_, v4, vm1 =	vpop (xrf1)  }
0x44: {  	vm2 =	vmneg vm1  }
0x45: {  	vm0 =	vmand vm0, vm2  }
0x46: {  	v4 =	vsel vm0, $0x3F800000, v0  }
0x47: {  	(xrf0) =	vmax.scan.msk.f32 $0xffff, v4;
	_ =	sdelay $0x5  }
0x48: {  	v4, _, _ =	vpop (xrf0)  }
0x49: {  	(v2sf) =	vpush v4, $0xF;
	_ =	sdelay $0xe  }
0x4a: {  	s13 =	spop (v2sf)  }
0x4b: {  	v4 =	vld [tilespmem:$0x4800];
	p0 =	sgt.f32 s13, $0.0e+00  }
.Ltmp8:
0x4c: {  	_ = 	snop;
	(pc) =	sbr.rel @p0 .LBB2_7-.Ltmp8, $2  }
0x4d: {  	_ =	sdelay $0x2  }
0x4e: {  	[tilespmem:v3+s8+$0x0] =	vst.idx.add.f32.msk vm1, v4  }
.Ltmp9:
0x4f: {  	_ = 	snop;
	(pc) =	sbr.rel .LBB2_8-.Ltmp9, $1  }
0x50: {  	_ =	sdelay $0x3  }
.LBB2_11:
0x51: {  	_ =	sfence.sel $0x180000  }
0x52: {  	[bflag:$0x0] =	sbarrier.arrive $0xFFFF  }
0x53: {  	p0 =	sne.s32 s1, $0x0;
	_ =	strace $0x90000047  }
0x54: {  	s0 =	sadd.s32 @!p0 $0x100000, s0;
	[bflag:$0x2] =	sbarrier.arrive $0xFFFF  }
0x55: {  	[sflag:s0] =	ssyncadd.tile.s32 @!p0 $0x1;
	_ =	shalt  }
.Lfunc_end2:
_tile_overlayer_lowered:
.L_overlay_start_2:
0x56: {  	(tag) =	ssettag $0x2  }
0x57: {  	s0 =	rddreg [dreg:$0x0];
	s2 =	stileid.u32  }
0x58: {  	s1 =	rddreg [dreg:$0x1];
	p0 =	sne.s32 s2, $0x0  }
0x59: {  	s3 =	rddreg [dreg:$0x2];
	[bflag:$0x3] =	sbarrier.arrive $0xFFFF;
	s2 =	simm.s32 @!p0 $0x1C01  }
0x5a: {  	[timem:s3], [sflag:s2] =	dma.local @!p0 [hbm:s0], s1  }
0x5b: {  	s0 =	simm.s32 @!p0 $0x1  }
0x5c: {  	_ =	swait.ge @!p0 [sflag:s0], s1  }
0x5d: {  	s1 =	ssub.s32 @!p0 $0x0, s1;
	[sflag:s0] =	ssyncset.done @!p0 $0x0  }
0x5e: {  	[sflag:s0] =	ssyncadd.s32 @!p0 s1  }
0x5f: {  	[bflag:$0x3] =	sbarrier.arrive $0xFFFF  }
0x60: {  	_ =	shalt  }

</sc_bundles>
